<compile_context>
chip_gen: v7x
topology: tpu7x:2x2x1
jax: 0.10.2.dev20260603
libtpu: 0.0.44.dev20260713+nightly
codegen_flags: <defaults>
</compile_context>

<pallas_src>
import functools

import jax
import jax.numpy as jnp
from jax import lax
from jax.experimental import pallas as pl
from jax.experimental.pallas import tpu as pltpu
from jax.experimental.pallas import tpu_sc as plsc

B = 16384
F = 26
V = 100000
D = 50
GW = 200
DP = 64
NUM = 13
LT = F * DP // 128
EDP = F * DP

NC, NS = 2, 16
NW = NC * NS
BF = B * F
ROWS_PER_W = BF // NW
CHUNK = 128
NCHUNK = ROWS_PER_W // CHUNK
NG = CHUNK // 16

_sc_mesh = plsc.VectorSubcoreMesh(
    core_axis_name="c", subcore_axis_name="s", num_cores=NC, num_subcores=NS
)


def _extract(buf, shf_v, outb, c):
    iota = lax.iota(jnp.int32, 16)
    iota2 = iota // 2
    colb = (iota % 2) * DP

    def group(g, carry):
        rows = g * 16 + iota
        orows = g * 8 + iota2
        shift = plsc.load_gather(shf_v, [jnp.zeros((16,), jnp.int32) + c, rows])

        def col(j, carry2):
            vals = plsc.load_gather(buf, [rows, shift + j])
            plsc.store_scatter(outb, [orows, colb + j], vals)
            return carry2

        lax.fori_loop(0, D, col, 0, unroll=8)

        def pad(j, carry2):
            plsc.store_scatter(outb, [orows, colb + j], jnp.zeros((16,), jnp.float32))
            return carry2

        lax.fori_loop(D, DP, pad, 0, unroll=7)
        return carry

    lax.fori_loop(0, NG, group, 0)


@functools.partial(
    pl.kernel,
    out_type=jax.ShapeDtypeStruct((BF // 2, 128), jnp.float32),
    mesh=_sc_mesh,
    compiler_params=pltpu.CompilerParams(
        use_tc_tiling_on_sc=False, needs_layout_passes=False
    ),
    scratch_types=[
        pltpu.VMEM((NCHUNK, CHUNK), jnp.int32),
        pltpu.VMEM((NCHUNK, CHUNK), jnp.int32),
        pltpu.VMEM((CHUNK, GW), jnp.float32),
        pltpu.VMEM((CHUNK, GW), jnp.float32),
        pltpu.VMEM((CHUNK // 2, 128), jnp.float32),
        pltpu.VMEM((CHUNK // 2, 128), jnp.float32),
        pltpu.SemaphoreType.DMA,
        pltpu.SemaphoreType.DMA,
    ],
)
def _sc_gather(tab_hbm, gidx_hbm, shf_hbm, out_hbm, gidx_v, shf_v,
               buf_a, buf_b, outb_a, outb_b, sem_a, sem_b):
    wid = lax.axis_index("s") * NC + lax.axis_index("c")
    base = wid * ROWS_PER_W
    pltpu.sync_copy(gidx_hbm.at[wid], gidx_v)
    pltpu.sync_copy(shf_hbm.at[wid], shf_v)
    pltpu.async_copy(tab_hbm.at[gidx_v.at[0]], buf_a, sem_a)

    def body(i, carry):
        c0 = i * 2
        c1 = c0 + 1
        pltpu.async_copy(tab_hbm.at[gidx_v.at[c1]], buf_b, sem_b)
        pltpu.make_async_copy(tab_hbm.at[gidx_v.at[c0]], buf_a, sem_a).wait()
        _extract(buf_a, shf_v, outb_a, c0)
        pltpu.sync_copy(
            outb_a, out_hbm.at[pl.ds(base // 2 + c0 * (CHUNK // 2), CHUNK // 2)]
        )

        @pl.when(c1 + 1 < NCHUNK)
        def _():
            pltpu.async_copy(tab_hbm.at[gidx_v.at[c1 + 1]], buf_a, sem_a)

        pltpu.make_async_copy(tab_hbm.at[gidx_v.at[c1]], buf_b, sem_b).wait()
        _extract(buf_b, shf_v, outb_b, c1)
        pltpu.sync_copy(
            outb_b, out_hbm.at[pl.ds(base // 2 + c1 * (CHUNK // 2), CHUNK // 2)]
        )
        return carry

    lax.fori_loop(0, NCHUNK // 2, body, 0)


BB = 1024


def _mlp_body(emb4, xnum, w1t, w1n, b1, w2, b2, w3, b3, w4, b4, out):
    f32 = jnp.float32
    hi = lax.Precision.HIGHEST
    x = jnp.concatenate(
        [emb4[:, l].reshape(BB, 128) for l in range(LT)], axis=1
    )
    h = jnp.dot(x, w1t[...], preferred_element_type=f32, precision=hi)
    h += jnp.dot(xnum[...], w1n[...], preferred_element_type=f32, precision=hi)
    h = jnp.maximum(h + b1[...], 0.0)
    h = jnp.maximum(jnp.dot(h, w2[...], preferred_element_type=f32, precision=hi) + b2[...], 0.0)
    h = jnp.maximum(jnp.dot(h, w3[...], preferred_element_type=f32, precision=hi) + b3[...], 0.0)
    out[...] = jnp.dot(h, w4[...], preferred_element_type=f32, precision=hi) + b4[...]


def _mlp(emb4, xnum, w1t, w1n, b1, w2, b2, w3, b3, w4, b4):
    grid = (B // BB,)
    full = lambda s: pl.BlockSpec(s, lambda i: (0,) * len(s))
    return pl.pallas_call(
        _mlp_body,
        grid=grid,
        in_specs=[
            pl.BlockSpec((BB // 8, LT, 8, 128), lambda i: (i, 0, 0, 0)),
            pl.BlockSpec((BB, NUM), lambda i: (i, 0)),
            full((EDP, 512)),
            full((NUM, 512)),
            full((1, 512)),
            full((512, 256)),
            full((1, 256)),
            full((256, 32)),
            full((1, 32)),
            full((32, 1)),
            full((1, 1)),
        ],
        out_specs=pl.BlockSpec((BB, 1), lambda i: (i, 0)),
        out_shape=jax.ShapeDtypeStruct((B, 1), jnp.float32),
    )(emb4, xnum, w1t, w1n, b1, w2, b2, w3, b3, w4, b4)


def kernel(x_num, x_cat, tables, W1, b1, W2, b2, W3, b3, W4, b4):
    idx = x_cat + (jnp.arange(F, dtype=jnp.int32) * V)[None, :]
    idxp = idx.reshape(B // 8, 8, F // 2, 2).transpose(0, 2, 1, 3)
    idxp = idxp.reshape(NW, NCHUNK, CHUNK)
    gidx = idxp // 4
    shf = (idxp % 4) * D
    tab = tables.reshape(F * V // 4, GW)
    out = _sc_gather(tab, gidx, shf)
    emb4 = out.reshape(B // 8, LT, 8, 128)
    w1e = W1[: F * D].reshape(F, D, 512)
    w1t = jnp.concatenate(
        [w1e, jnp.zeros((F, DP - D, 512), jnp.float32)], axis=1
    ).reshape(EDP, 512)
    return _mlp(
        emb4,
        x_num,
        w1t,
        W1[F * D :],
        b1.reshape(1, -1),
        W2,
        b2.reshape(1, -1),
        W3,
        b3.reshape(1, -1),
        W4,
        b4.reshape(1, -1),
    )

# --- scband reference (transcript-rebuilt; emitter-appended) ---
"""Pipeline reference for scband-my-nn-32280974197448 (READ-ONLY COPY).

The authoritative reference and input builder live on the scoring server;
editing this copy changes nothing except your own understanding.
"""

import jax, jax.numpy as jnp
import numpy as np

B = 16384
F = 26
V = 100000
D = 50  # min(50, (100000+1)//2) = 50
NUM = 13
IN_DIM = F * D + NUM  # 1313


def setup_inputs(seed: int = 0) -> dict:
    key = jax.random.key(seed)
    ks = jax.random.split(key, 12)
    x_num = jax.random.normal(ks[0], (B, NUM), dtype=jnp.float32)
    x_cat = jax.random.randint(ks[1], (B, F), 0, V, dtype=jnp.int32)
    tables = jax.random.normal(ks[2], (F, V, D), dtype=jnp.float32) * 0.05
    def lin(k, fi, fo):
        s = 1.0 / np.sqrt(fi)
        kw, kb = jax.random.split(k)
        W = jax.random.uniform(kw, (fi, fo), minval=-s, maxval=s, dtype=jnp.float32)
        b = jax.random.uniform(kb, (fo,), minval=-s, maxval=s, dtype=jnp.float32)
        return W, b
    W1, b1 = lin(ks[3], IN_DIM, 512)
    W2, b2 = lin(ks[4], 512, 256)
    W3, b3 = lin(ks[5], 256, 32)
    W4, b4 = lin(ks[6], 32, 1)
    return {"x_num": x_num, "x_cat": x_cat, "tables": tables,
            "W1": W1, "b1": b1, "W2": W2, "b2": b2,
            "W3": W3, "b3": b3, "W4": W4, "b4": b4}


def reference(x_num, x_cat, tables, W1, b1, W2, b2, W3, b3, W4, b4):
    # Per-field embedding lookup: tables[i][x_cat[:, i]] for each of the F fields.
    # tables: (F, V, D); advanced indexing with field ids + x_cat gives (B, F, D).
    field_ids = jnp.arange(F, dtype=x_cat.dtype)  # (F,) broadcasts with (B, F)
    emb = tables[field_ids, x_cat]  # gather -> (B, F, D)
    x = jnp.concatenate([emb.reshape(B, F * D), x_num], axis=1)
    # Dropout layers are identity at inference (eval mode).
    h = jax.nn.relu(x @ W1 + b1)
    h = jax.nn.relu(h @ W2 + b2)
    h = jax.nn.relu(h @ W3 + b3)
    return h @ W4 + b4

if __name__ == "__main__":
    import jax
    _d = setup_inputs()
    print(jax.jit(kernel)(*tuple(_d.values())))

</pallas_src>

<mosaic_0001>
#map = affine_map<(d0, d1) -> (0, 0)>
#map1 = affine_map<(d0, d1) -> (0, 0, 0)>
module attributes {stable_mosaic.version = 14 : i64} {
  func.func @_sc_gather(%arg0: i32, %arg1: i32, %arg2: memref<650000x200xf32, #tpu.memory_space<hbm>>, %arg3: memref<32x104x128xi32, #tpu.memory_space<hbm>>, %arg4: memref<32x104x128xi32, #tpu.memory_space<hbm>>, %arg5: memref<212992x128xf32, #tpu.memory_space<hbm>>, %arg6: memref<104x128xi32, #tpu.memory_space<vmem>>, %arg7: memref<104x128xi32, #tpu.memory_space<vmem>>, %arg8: memref<128x200xf32, #tpu.memory_space<vmem>>, %arg9: memref<128x200xf32, #tpu.memory_space<vmem>>, %arg10: memref<64x128xf32, #tpu.memory_space<vmem>>, %arg11: memref<64x128xf32, #tpu.memory_space<vmem>>, %arg12: memref<!tpu.dma_semaphore, #tpu.memory_space<semaphore_mem>>, %arg13: memref<!tpu.dma_semaphore, #tpu.memory_space<semaphore_mem>>) attributes {dimension_semantics = [#tpu.dimension_semantics<core_parallel>, #tpu.dimension_semantics<subcore_parallel>], iteration_bounds = array<i64: 2, 16>, scalar_prefetch = 0 : i64, scratch_operands = 8 : i64, tpu.core_type = #tpu.core_type<sc_vector_subcore>, window_params = [{transform_indices = #map}, {transform_indices = #map1}, {transform_indices = #map1}, {transform_indices = #map}]} {
    %mul3A = arith.constant 2 : i32
    %mul3A_0 = arith.muli %arg1, %mul3A : i32
    %add3A = arith.addi %mul3A_0, %arg0 : i32
    %mul3A_1 = arith.constant 13312 : i32
    %mul3A_2 = arith.muli %add3A, %mul3A_1 : i32
    "tpu.region"() ({
      %run_scoped3A = tpu.sem_alloc : memref<!tpu.dma_semaphore, #tpu.memory_space<semaphore_mem>>
      %dma_start3A_14 = arith.constant 0 : i32
      %dma_start3A_15 = arith.constant 0 : i32
      %dma_start3A_16 = tpu.memref_slice %arg3[%add3A, %dma_start3A_14, %dma_start3A_15] : memref<32x104x128xi32, #tpu.memory_space<hbm>> -> memref<1x104x128xi32, #tpu.memory_space<hbm>>
      %dma_start3A_17 = tpu.memref_squeeze %dma_start3A_16 : memref<1x104x128xi32, #tpu.memory_space<hbm>> -> memref<104x128xi32, #tpu.memory_space<hbm>>
      %dma_start3A_18 = arith.constant 0 : i32
      %dma_start3A_19 = arith.constant 0 : i32
      %dma_start3A_20 = tpu.memref_slice %arg3[%add3A, %dma_start3A_18, %dma_start3A_19] : memref<32x104x128xi32, #tpu.memory_space<hbm>> -> memref<1x104x128xi32, #tpu.memory_space<hbm>>
      %dma_start3A_21 = tpu.memref_squeeze %dma_start3A_20 : memref<1x104x128xi32, #tpu.memory_space<hbm>> -> memref<104x128xi32, #tpu.memory_space<hbm>>
      tpu.enqueue_dma source(%dma_start3A_21 : memref<104x128xi32, #tpu.memory_space<hbm>>) target(%arg6 : memref<104x128xi32, #tpu.memory_space<vmem>>) target_semaphore(%run_scoped3A : memref<!tpu.dma_semaphore, #tpu.memory_space<semaphore_mem>>)
      %dma_wait3A = arith.constant 0 : i32
      %dma_wait3A_22 = arith.constant 0 : i32
      %dma_wait3A_23 = tpu.memref_slice %arg3[%add3A, %dma_wait3A, %dma_wait3A_22] : memref<32x104x128xi32, #tpu.memory_space<hbm>> -> memref<1x104x128xi32, #tpu.memory_space<hbm>>
      %dma_wait3A_24 = tpu.memref_squeeze %dma_wait3A_23 : memref<1x104x128xi32, #tpu.memory_space<hbm>> -> memref<104x128xi32, #tpu.memory_space<hbm>>
      %dma_wait3A_25 = arith.constant 0 : i32
      %dma_wait3A_26 = arith.constant 0 : i32
      %dma_wait3A_27 = tpu.memref_slice %arg3[%add3A, %dma_wait3A_25, %dma_wait3A_26] : memref<32x104x128xi32, #tpu.memory_space<hbm>> -> memref<1x104x128xi32, #tpu.memory_space<hbm>>
      %dma_wait3A_28 = tpu.memref_squeeze %dma_wait3A_27 : memref<1x104x128xi32, #tpu.memory_space<hbm>> -> memref<104x128xi32, #tpu.memory_space<hbm>>
      tpu.wait_dma2 semaphore(%run_scoped3A : memref<!tpu.dma_semaphore, #tpu.memory_space<semaphore_mem>>) src(%dma_wait3A_28 : memref<104x128xi32, #tpu.memory_space<hbm>>) dst(%arg6 : memref<104x128xi32, #tpu.memory_space<vmem>>)
      tpu.yield
    }) : () -> ()
    "tpu.region"() ({
      %run_scoped3A = tpu.sem_alloc : memref<!tpu.dma_semaphore, #tpu.memory_space<semaphore_mem>>
      %dma_start3A_14 = arith.constant 0 : i32
      %dma_start3A_15 = arith.constant 0 : i32
      %dma_start3A_16 = tpu.memref_slice %arg4[%add3A, %dma_start3A_14, %dma_start3A_15] : memref<32x104x128xi32, #tpu.memory_space<hbm>> -> memref<1x104x128xi32, #tpu.memory_space<hbm>>
      %dma_start3A_17 = tpu.memref_squeeze %dma_start3A_16 : memref<1x104x128xi32, #tpu.memory_space<hbm>> -> memref<104x128xi32, #tpu.memory_space<hbm>>
      %dma_start3A_18 = arith.constant 0 : i32
      %dma_start3A_19 = arith.constant 0 : i32
      %dma_start3A_20 = tpu.memref_slice %arg4[%add3A, %dma_start3A_18, %dma_start3A_19] : memref<32x104x128xi32, #tpu.memory_space<hbm>> -> memref<1x104x128xi32, #tpu.memory_space<hbm>>
      %dma_start3A_21 = tpu.memref_squeeze %dma_start3A_20 : memref<1x104x128xi32, #tpu.memory_space<hbm>> -> memref<104x128xi32, #tpu.memory_space<hbm>>
      tpu.enqueue_dma source(%dma_start3A_21 : memref<104x128xi32, #tpu.memory_space<hbm>>) target(%arg7 : memref<104x128xi32, #tpu.memory_space<vmem>>) target_semaphore(%run_scoped3A : memref<!tpu.dma_semaphore, #tpu.memory_space<semaphore_mem>>)
      %dma_wait3A = arith.constant 0 : i32
      %dma_wait3A_22 = arith.constant 0 : i32
      %dma_wait3A_23 = tpu.memref_slice %arg4[%add3A, %dma_wait3A, %dma_wait3A_22] : memref<32x104x128xi32, #tpu.memory_space<hbm>> -> memref<1x104x128xi32, #tpu.memory_space<hbm>>
      %dma_wait3A_24 = tpu.memref_squeeze %dma_wait3A_23 : memref<1x104x128xi32, #tpu.memory_space<hbm>> -> memref<104x128xi32, #tpu.memory_space<hbm>>
      %dma_wait3A_25 = arith.constant 0 : i32
      %dma_wait3A_26 = arith.constant 0 : i32
      %dma_wait3A_27 = tpu.memref_slice %arg4[%add3A, %dma_wait3A_25, %dma_wait3A_26] : memref<32x104x128xi32, #tpu.memory_space<hbm>> -> memref<1x104x128xi32, #tpu.memory_space<hbm>>
      %dma_wait3A_28 = tpu.memref_squeeze %dma_wait3A_27 : memref<1x104x128xi32, #tpu.memory_space<hbm>> -> memref<104x128xi32, #tpu.memory_space<hbm>>
      tpu.wait_dma2 semaphore(%run_scoped3A : memref<!tpu.dma_semaphore, #tpu.memory_space<semaphore_mem>>) src(%dma_wait3A_28 : memref<104x128xi32, #tpu.memory_space<hbm>>) dst(%arg7 : memref<104x128xi32, #tpu.memory_space<vmem>>)
      tpu.yield
    }) : () -> ()
    %dma_start3A = arith.constant 0 : i32
    %dma_start3A_3 = arith.constant 0 : i32
    %dma_start3A_4 = tpu.memref_slice %arg6[%dma_start3A, %dma_start3A_3] : memref<104x128xi32, #tpu.memory_space<vmem>> -> memref<1x128xi32, #tpu.memory_space<vmem>>
    %dma_start3A_5 = tpu.memref_squeeze %dma_start3A_4 : memref<1x128xi32, #tpu.memory_space<vmem>> -> memref<128xi32, #tpu.memory_space<vmem>>
    %dma_start3A_6 = arith.constant 0 : i32
    %dma_start3A_7 = arith.constant 0 : i32
    %dma_start3A_8 = tpu.memref_slice %arg2[%dma_start3A_6, %dma_start3A_7] : memref<650000x200xf32, #tpu.memory_space<hbm>> -> memref<650000x200xf32, #tpu.memory_space<hbm>>
    tpu.enqueue_indirect_dma source(%dma_start3A_8 : memref<650000x200xf32, #tpu.memory_space<hbm>>) target(%arg8 : memref<128x200xf32, #tpu.memory_space<vmem>>) offsets(%dma_start3A_5 : memref<128xi32, #tpu.memory_space<vmem>>) semaphore(%arg12 : memref<!tpu.dma_semaphore, #tpu.memory_space<semaphore_mem>>)
    %scan3A = arith.constant 0 : i32
    %scan3A_9 = arith.constant 0 : i32
    %scan3A_10 = arith.constant 52 : i32
    %scan3A_11 = arith.addi %scan3A_9, %scan3A_10 : i32
    %scan3A_12 = arith.constant 1 : i32
    scf.for %scan3A_14 = %scan3A_9 to %scan3A_11 step %scan3A_12  : i32 {
      %mul3A_15 = arith.constant 2 : i32
      %mul3A_16 = arith.muli %scan3A_14, %mul3A_15 : i32
      %add3A_17 = arith.constant 1 : i32
      %add3A_18 = arith.addi %mul3A_16, %add3A_17 : i32
      %dma_start3A_19 = arith.constant 0 : i32
      %dma_start3A_20 = tpu.memref_slice %arg6[%add3A_18, %dma_start3A_19] : memref<104x128xi32, #tpu.memory_space<vmem>> -> memref<1x128xi32, #tpu.memory_space<vmem>>
      %dma_start3A_21 = tpu.memref_squeeze %dma_start3A_20 : memref<1x128xi32, #tpu.memory_space<vmem>> -> memref<128xi32, #tpu.memory_space<vmem>>
      %dma_start3A_22 = arith.constant 0 : i32
      %dma_start3A_23 = arith.constant 0 : i32
      %dma_start3A_24 = tpu.memref_slice %arg2[%dma_start3A_22, %dma_start3A_23] : memref<650000x200xf32, #tpu.memory_space<hbm>> -> memref<650000x200xf32, #tpu.memory_space<hbm>>
      tpu.enqueue_indirect_dma source(%dma_start3A_24 : memref<650000x200xf32, #tpu.memory_space<hbm>>) target(%arg9 : memref<128x200xf32, #tpu.memory_space<vmem>>) offsets(%dma_start3A_21 : memref<128xi32, #tpu.memory_space<vmem>>) semaphore(%arg13 : memref<!tpu.dma_semaphore, #tpu.memory_space<semaphore_mem>>)
      %dma_wait3A = arith.constant 0 : i32
      %dma_wait3A_25 = tpu.memref_slice %arg6[%mul3A_16, %dma_wait3A] : memref<104x128xi32, #tpu.memory_space<vmem>> -> memref<1x128xi32, #tpu.memory_space<vmem>>
      %dma_wait3A_26 = tpu.memref_squeeze %dma_wait3A_25 : memref<1x128xi32, #tpu.memory_space<vmem>> -> memref<128xi32, #tpu.memory_space<vmem>>
      %dma_wait3A_27 = arith.constant 0 : i32
      %dma_wait3A_28 = arith.constant 0 : i32
      %dma_wait3A_29 = tpu.memref_slice %arg2[%dma_wait3A_27, %dma_wait3A_28] : memref<650000x200xf32, #tpu.memory_space<hbm>> -> memref<650000x200xf32, #tpu.memory_space<hbm>>
      tpu.wait_indirect_dma semaphore(%arg12 : memref<!tpu.dma_semaphore, #tpu.memory_space<semaphore_mem>>) src(%dma_wait3A_29 : memref<650000x200xf32, #tpu.memory_space<hbm>>) dst(%arg8 : memref<128x200xf32, #tpu.memory_space<vmem>>)
      %iota3A = tpu.iota {dimensions = array<i32: 0>} : vector<16xi32>
      %jit3A = arith.constant 2 : i32
      %div3A = vector.broadcast %jit3A : i32 to vector<16xi32>
      %div3A_30 = arith.divsi %iota3A, %div3A : vector<16xi32>
      %sign3A = arith.constant 0 : i32
      %sign3A_31 = vector.broadcast %sign3A : i32 to vector<16xi32>
      %sign3A_32 = arith.cmpi sgt, %iota3A, %sign3A_31 : vector<16xi32>
      %sign3A_33 = arith.extui %sign3A_32 : vector<16xi1> to vector<16xi32>
      %sign3A_34 = arith.constant 0 : i32
      %sign3A_35 = vector.broadcast %sign3A_34 : i32 to vector<16xi32>
      %sign3A_36 = arith.cmpi slt, %iota3A, %sign3A_35 : vector<16xi32>
      %sign3A_37 = arith.extui %sign3A_36 : vector<16xi1> to vector<16xi32>
      %sign3A_38 = arith.subi %sign3A_33, %sign3A_37 : vector<16xi32>
      %sign3A_39 = arith.constant 0 : i32
      %sign3A_40 = arith.cmpi sgt, %jit3A, %sign3A_39 : i32
      %sign3A_41 = arith.extui %sign3A_40 : i1 to i32
      %sign3A_42 = arith.constant 0 : i32
      %sign3A_43 = arith.cmpi slt, %jit3A, %sign3A_42 : i32
      %sign3A_44 = arith.extui %sign3A_43 : i1 to i32
      %sign3A_45 = arith.subi %sign3A_41, %sign3A_44 : i32
      %ne3A = vector.broadcast %sign3A_45 : i32 to vector<16xi32>
      %ne3A_46 = arith.cmpi ne, %sign3A_38, %ne3A : vector<16xi32>
      %rem3A = vector.broadcast %jit3A : i32 to vector<16xi32>
      %rem3A_47 = arith.remsi %iota3A, %rem3A : vector<16xi32>
      %ne3A_48 = arith.constant 0 : i32
      %ne3A_49 = vector.broadcast %ne3A_48 : i32 to vector<16xi32>
      %ne3A_50 = arith.cmpi ne, %rem3A_47, %ne3A_49 : vector<16xi32>
      %and3A = arith.andi %ne3A_46, %ne3A_50 : vector<16xi1>
      %sub3A = arith.constant 1 : i32
      %sub3A_51 = vector.broadcast %sub3A : i32 to vector<16xi32>
      %sub3A_52 = arith.subi %div3A_30, %sub3A_51 : vector<16xi32>
      %select_n3A = arith.select %and3A, %sub3A_52, %div3A_30 : vector<16xi1>, vector<16xi32>
      %jit3A_53 = arith.constant 2 : i32
      %eq3A = arith.constant 0 : i32
      %eq3A_54 = arith.cmpi eq, %jit3A_53, %eq3A : i32
      %jit3A_55 = arith.constant 1 : i32
      %select_n3A_56 = arith.select %eq3A_54, %jit3A_55, %jit3A_53 : i32
      %rem3A_57 = vector.broadcast %select_n3A_56 : i32 to vector<16xi32>
      %rem3A_58 = arith.remsi %iota3A, %rem3A_57 : vector<16xi32>
      %ne3A_59 = arith.constant 0 : i32
      %ne3A_60 = vector.broadcast %ne3A_59 : i32 to vector<16xi32>
      %ne3A_61 = arith.cmpi ne, %rem3A_58, %ne3A_60 : vector<16xi32>
      %lt3A = arith.constant 0 : i32
      %lt3A_62 = vector.broadcast %lt3A : i32 to vector<16xi32>
      %lt3A_63 = arith.cmpi slt, %rem3A_58, %lt3A_62 : vector<16xi32>
      %lt3A_64 = arith.constant 0 : i32
      %lt3A_65 = arith.cmpi slt, %select_n3A_56, %lt3A_64 : i32
      %ne3A_66 = vector.broadcast %lt3A_65 : i1 to vector<16xi1>
      %ne3A_67 = vector.broadcast %ne3A_66 : vector<16xi1> to vector<16xi1>
      %ne3A_68 = arith.xori %lt3A_63, %ne3A_67 : vector<16xi1>
      %and3A_69 = arith.andi %ne3A_68, %ne3A_61 : vector<16xi1>
      %add3A_70 = vector.broadcast %select_n3A_56 : i32 to vector<16xi32>
      %add3A_71 = arith.addi %rem3A_58, %add3A_70 : vector<16xi32>
      %select_n3A_72 = arith.select %and3A_69, %add3A_71, %rem3A_58 : vector<16xi1>, vector<16xi32>
      %mul3A_73 = arith.constant 64 : i32
      %mul3A_74 = vector.broadcast %mul3A_73 : i32 to vector<16xi32>
      %mul3A_75 = arith.muli %select_n3A_72, %mul3A_74 : vector<16xi32>
      %scan3A_76 = arith.constant 0 : i32
      %scan3A_77 = arith.constant 0 : i32
      %scan3A_78 = arith.constant 8 : i32
      %scan3A_79 = arith.addi %scan3A_77, %scan3A_78 : i32
      %scan3A_80 = arith.constant 1 : i32
      scf.for %scan3A_210 = %scan3A_77 to %scan3A_79 step %scan3A_80  : i32 {
        %mul3A_211 = arith.constant 16 : i32
        %mul3A_212 = arith.muli %scan3A_210, %mul3A_211 : i32
        %add3A_213 = vector.broadcast %mul3A_212 : i32 to vector<16xi32>
        %add3A_214 = arith.addi %add3A_213, %iota3A : vector<16xi32>
        %mul3A_215 = arith.constant 8 : i32
        %mul3A_216 = arith.muli %scan3A_210, %mul3A_215 : i32
        %add3A_217 = vector.broadcast %mul3A_216 : i32 to vector<16xi32>
        %add3A_218 = arith.addi %add3A_217, %select_n3A : vector<16xi32>
        %broadcast_in_dim3A = arith.constant 0 : i32
        %broadcast_in_dim3A_219 = vector.broadcast %broadcast_in_dim3A : i32 to vector<16xi32>
        %add3A_220 = vector.broadcast %mul3A_16 : i32 to vector<16xi32>
        %add3A_221 = arith.addi %broadcast_in_dim3A_219, %add3A_220 : vector<16xi32>
        %gather3A = tpu.vector_load_idx %arg7[%add3A_221, %add3A_214] : memref<104x128xi32, #tpu.memory_space<vmem>>[vector<16xi32>, vector<16xi32>], vector<16xi32>,
        %scan3A_222 = arith.constant 0 : i32
        %scan3A_223 = arith.constant 0 : i32
        %scan3A_224 = arith.constant 48 : i32
        %scan3A_225 = arith.addi %scan3A_223, %scan3A_224 : i32
        %scan3A_226 = arith.constant 8 : i32
        scf.for %scan3A_248 = %scan3A_223 to %scan3A_225 step %scan3A_226  : i32 {
          %add3A_249 = vector.broadcast %scan3A_248 : i32 to vector<16xi32>
          %add3A_250 = arith.addi %gather3A, %add3A_249 : vector<16xi32>
          %gather3A_251 = tpu.vector_load_idx %arg8[%add3A_214, %add3A_250] : memref<128x200xf32, #tpu.memory_space<vmem>>[vector<16xi32>, vector<16xi32>], vector<16xf32>,
          %add3A_252 = vector.broadcast %scan3A_248 : i32 to vector<16xi32>
          %add3A_253 = arith.addi %mul3A_75, %add3A_252 : vector<16xi32>
          tpu.vector_store_idx %arg10[%add3A_218, %add3A_253], %gather3A_251 : memref<64x128xf32, #tpu.memory_space<vmem>>[vector<16xi32>, vector<16xi32>], vector<16xf32>,
          %scan3A_254 = arith.constant 1 : i32
          %scan3A_255 = arith.addi %scan3A_248, %scan3A_254 : i32
          %add3A_256 = vector.broadcast %scan3A_255 : i32 to vector<16xi32>
          %add3A_257 = arith.addi %gather3A, %add3A_256 : vector<16xi32>
          %gather3A_258 = tpu.vector_load_idx %arg8[%add3A_214, %add3A_257] : memref<128x200xf32, #tpu.memory_space<vmem>>[vector<16xi32>, vector<16xi32>], vector<16xf32>,
          %add3A_259 = vector.broadcast %scan3A_255 : i32 to vector<16xi32>
          %add3A_260 = arith.addi %mul3A_75, %add3A_259 : vector<16xi32>
          tpu.vector_store_idx %arg10[%add3A_218, %add3A_260], %gather3A_258 : memref<64x128xf32, #tpu.memory_space<vmem>>[vector<16xi32>, vector<16xi32>], vector<16xf32>,
          %scan3A_261 = arith.constant 2 : i32
          %scan3A_262 = arith.addi %scan3A_248, %scan3A_261 : i32
          %add3A_263 = vector.broadcast %scan3A_262 : i32 to vector<16xi32>
          %add3A_264 = arith.addi %gather3A, %add3A_263 : vector<16xi32>
          %gather3A_265 = tpu.vector_load_idx %arg8[%add3A_214, %add3A_264] : memref<128x200xf32, #tpu.memory_space<vmem>>[vector<16xi32>, vector<16xi32>], vector<16xf32>,
          %add3A_266 = vector.broadcast %scan3A_262 : i32 to vector<16xi32>
          %add3A_267 = arith.addi %mul3A_75, %add3A_266 : vector<16xi32>
          tpu.vector_store_idx %arg10[%add3A_218, %add3A_267], %gather3A_265 : memref<64x128xf32, #tpu.memory_space<vmem>>[vector<16xi32>, vector<16xi32>], vector<16xf32>,
          %scan3A_268 = arith.constant 3 : i32
          %scan3A_269 = arith.addi %scan3A_248, %scan3A_268 : i32
          %add3A_270 = vector.broadcast %scan3A_269 : i32 to vector<16xi32>
          %add3A_271 = arith.addi %gather3A, %add3A_270 : vector<16xi32>
          %gather3A_272 = tpu.vector_load_idx %arg8[%add3A_214, %add3A_271] : memref<128x200xf32, #tpu.memory_space<vmem>>[vector<16xi32>, vector<16xi32>], vector<16xf32>,
          %add3A_273 = vector.broadcast %scan3A_269 : i32 to vector<16xi32>
          %add3A_274 = arith.addi %mul3A_75, %add3A_273 : vector<16xi32>
          tpu.vector_store_idx %arg10[%add3A_218, %add3A_274], %gather3A_272 : memref<64x128xf32, #tpu.memory_space<vmem>>[vector<16xi32>, vector<16xi32>], vector<16xf32>,
          %scan3A_275 = arith.constant 4 : i32
          %scan3A_276 = arith.addi %scan3A_248, %scan3A_275 : i32
          %add3A_277 = vector.broadcast %scan3A_276 : i32 to vector<16xi32>
          %add3A_278 = arith.addi %gather3A, %add3A_277 : vector<16xi32>
          %gather3A_279 = tpu.vector_load_idx %arg8[%add3A_214, %add3A_278] : memref<128x200xf32, #tpu.memory_space<vmem>>[vector<16xi32>, vector<16xi32>], vector<16xf32>,
          %add3A_280 = vector.broadcast %scan3A_276 : i32 to vector<16xi32>
          %add3A_281 = arith.addi %mul3A_75, %add3A_280 : vector<16xi32>
          tpu.vector_store_idx %arg10[%add3A_218, %add3A_281], %gather3A_279 : memref<64x128xf32, #tpu.memory_space<vmem>>[vector<16xi32>, vector<16xi32>], vector<16xf32>,
          %scan3A_282 = arith.constant 5 : i32
          %scan3A_283 = arith.addi %scan3A_248, %scan3A_282 : i32
          %add3A_284 = vector.broadcast %scan3A_283 : i32 to vector<16xi32>
          %add3A_285 = arith.addi %gather3A, %add3A_284 : vector<16xi32>
          %gather3A_286 = tpu.vector_load_idx %arg8[%add3A_214, %add3A_285] : memref<128x200xf32, #tpu.memory_space<vmem>>[vector<16xi32>, vector<16xi32>], vector<16xf32>,
          %add3A_287 = vector.broadcast %scan3A_283 : i32 to vector<16xi32>
          %add3A_288 = arith.addi %mul3A_75, %add3A_287 : vector<16xi32>
          tpu.vector_store_idx %arg10[%add3A_218, %add3A_288], %gather3A_286 : memref<64x128xf32, #tpu.memory_space<vmem>>[vector<16xi32>, vector<16xi32>], vector<16xf32>,
          %scan3A_289 = arith.constant 6 : i32
          %scan3A_290 = arith.addi %scan3A_248, %scan3A_289 : i32
          %add3A_291 = vector.broadcast %scan3A_290 : i32 to vector<16xi32>
          %add3A_292 = arith.addi %gather3A, %add3A_291 : vector<16xi32>
          %gather3A_293 = tpu.vector_load_idx %arg8[%add3A_214, %add3A_292] : memref<128x200xf32, #tpu.memory_space<vmem>>[vector<16xi32>, vector<16xi32>], vector<16xf32>,
          %add3A_294 = vector.broadcast %scan3A_290 : i32 to vector<16xi32>
          %add3A_295 = arith.addi %mul3A_75, %add3A_294 : vector<16xi32>
          tpu.vector_store_idx %arg10[%add3A_218, %add3A_295], %gather3A_293 : memref<64x128xf32, #tpu.memory_space<vmem>>[vector<16xi32>, vector<16xi32>], vector<16xf32>,
          %scan3A_296 = arith.constant 7 : i32
          %scan3A_297 = arith.addi %scan3A_248, %scan3A_296 : i32
          %add3A_298 = vector.broadcast %scan3A_297 : i32 to vector<16xi32>
          %add3A_299 = arith.addi %gather3A, %add3A_298 : vector<16xi32>
          %gather3A_300 = tpu.vector_load_idx %arg8[%add3A_214, %add3A_299] : memref<128x200xf32, #tpu.memory_space<vmem>>[vector<16xi32>, vector<16xi32>], vector<16xf32>,
          %add3A_301 = vector.broadcast %scan3A_297 : i32 to vector<16xi32>
          %add3A_302 = arith.addi %mul3A_75, %add3A_301 : vector<16xi32>
          tpu.vector_store_idx %arg10[%add3A_218, %add3A_302], %gather3A_300 : memref<64x128xf32, #tpu.memory_space<vmem>>[vector<16xi32>, vector<16xi32>], vector<16xf32>,
        }
        %scan3A_227 = arith.constant 48 : i32
        %scan3A_228 = arith.addi %scan3A_223, %scan3A_227 : i32
        %add3A_229 = vector.broadcast %scan3A_228 : i32 to vector<16xi32>
        %add3A_230 = arith.addi %gather3A, %add3A_229 : vector<16xi32>
        %gather3A_231 = tpu.vector_load_idx %arg8[%add3A_214, %add3A_230] : memref<128x200xf32, #tpu.memory_space<vmem>>[vector<16xi32>, vector<16xi32>], vector<16xf32>,
        %add3A_232 = vector.broadcast %scan3A_228 : i32 to vector<16xi32>
        %add3A_233 = arith.addi %mul3A_75, %add3A_232 : vector<16xi32>
        tpu.vector_store_idx %arg10[%add3A_218, %add3A_233], %gather3A_231 : memref<64x128xf32, #tpu.memory_space<vmem>>[vector<16xi32>, vector<16xi32>], vector<16xf32>,
        %scan3A_234 = arith.constant 49 : i32
        %scan3A_235 = arith.addi %scan3A_223, %scan3A_234 : i32
        %add3A_236 = vector.broadcast %scan3A_235 : i32 to vector<16xi32>
        %add3A_237 = arith.addi %gather3A, %add3A_236 : vector<16xi32>
        %gather3A_238 = tpu.vector_load_idx %arg8[%add3A_214, %add3A_237] : memref<128x200xf32, #tpu.memory_space<vmem>>[vector<16xi32>, vector<16xi32>], vector<16xf32>,
        %add3A_239 = vector.broadcast %scan3A_235 : i32 to vector<16xi32>
        %add3A_240 = arith.addi %mul3A_75, %add3A_239 : vector<16xi32>
        tpu.vector_store_idx %arg10[%add3A_218, %add3A_240], %gather3A_238 : memref<64x128xf32, #tpu.memory_space<vmem>>[vector<16xi32>, vector<16xi32>], vector<16xf32>,
        %scan3A_241 = arith.constant 50 : i32
        %scan3A_242 = arith.constant 0 : i32
        %scan3A_243 = arith.constant 50 : i32
        %scan3A_244 = arith.constant 14 : i32
        %scan3A_245 = arith.addi %scan3A_243, %scan3A_244 : i32
        %scan3A_246 = arith.constant 7 : i32
        scf.for %scan3A_248 = %scan3A_243 to %scan3A_245 step %scan3A_246  : i32 {
          %add3A_249 = vector.broadcast %scan3A_248 : i32 to vector<16xi32>
          %add3A_250 = arith.addi %mul3A_75, %add3A_249 : vector<16xi32>
          %broadcast_in_dim3A_251 = arith.constant 0.000000e+00 : f32
          %broadcast_in_dim3A_252 = vector.broadcast %broadcast_in_dim3A_251 : f32 to vector<16xf32>
          tpu.vector_store_idx %arg10[%add3A_218, %add3A_250], %broadcast_in_dim3A_252 : memref<64x128xf32, #tpu.memory_space<vmem>>[vector<16xi32>, vector<16xi32>], vector<16xf32>,
          %scan3A_253 = arith.constant 1 : i32
          %scan3A_254 = arith.addi %scan3A_248, %scan3A_253 : i32
          %add3A_255 = vector.broadcast %scan3A_254 : i32 to vector<16xi32>
          %add3A_256 = arith.addi %mul3A_75, %add3A_255 : vector<16xi32>
          %broadcast_in_dim3A_257 = arith.constant 0.000000e+00 : f32
          %broadcast_in_dim3A_258 = vector.broadcast %broadcast_in_dim3A_257 : f32 to vector<16xf32>
          tpu.vector_store_idx %arg10[%add3A_218, %add3A_256], %broadcast_in_dim3A_258 : memref<64x128xf32, #tpu.memory_space<vmem>>[vector<16xi32>, vector<16xi32>], vector<16xf32>,
          %scan3A_259 = arith.constant 2 : i32
          %scan3A_260 = arith.addi %scan3A_248, %scan3A_259 : i32
          %add3A_261 = vector.broadcast %scan3A_260 : i32 to vector<16xi32>
          %add3A_262 = arith.addi %mul3A_75, %add3A_261 : vector<16xi32>
          %broadcast_in_dim3A_263 = arith.constant 0.000000e+00 : f32
          %broadcast_in_dim3A_264 = vector.broadcast %broadcast_in_dim3A_263 : f32 to vector<16xf32>
          tpu.vector_store_idx %arg10[%add3A_218, %add3A_262], %broadcast_in_dim3A_264 : memref<64x128xf32, #tpu.memory_space<vmem>>[vector<16xi32>, vector<16xi32>], vector<16xf32>,
          %scan3A_265 = arith.constant 3 : i32
          %scan3A_266 = arith.addi %scan3A_248, %scan3A_265 : i32
          %add3A_267 = vector.broadcast %scan3A_266 : i32 to vector<16xi32>
          %add3A_268 = arith.addi %mul3A_75, %add3A_267 : vector<16xi32>
          %broadcast_in_dim3A_269 = arith.constant 0.000000e+00 : f32
          %broadcast_in_dim3A_270 = vector.broadcast %broadcast_in_dim3A_269 : f32 to vector<16xf32>
          tpu.vector_store_idx %arg10[%add3A_218, %add3A_268], %broadcast_in_dim3A_270 : memref<64x128xf32, #tpu.memory_space<vmem>>[vector<16xi32>, vector<16xi32>], vector<16xf32>,
          %scan3A_271 = arith.constant 4 : i32
          %scan3A_272 = arith.addi %scan3A_248, %scan3A_271 : i32
          %add3A_273 = vector.broadcast %scan3A_272 : i32 to vector<16xi32>
          %add3A_274 = arith.addi %mul3A_75, %add3A_273 : vector<16xi32>
          %broadcast_in_dim3A_275 = arith.constant 0.000000e+00 : f32
          %broadcast_in_dim3A_276 = vector.broadcast %broadcast_in_dim3A_275 : f32 to vector<16xf32>
          tpu.vector_store_idx %arg10[%add3A_218, %add3A_274], %broadcast_in_dim3A_276 : memref<64x128xf32, #tpu.memory_space<vmem>>[vector<16xi32>, vector<16xi32>], vector<16xf32>,
          %scan3A_277 = arith.constant 5 : i32
          %scan3A_278 = arith.addi %scan3A_248, %scan3A_277 : i32
          %add3A_279 = vector.broadcast %scan3A_278 : i32 to vector<16xi32>
          %add3A_280 = arith.addi %mul3A_75, %add3A_279 : vector<16xi32>
          %broadcast_in_dim3A_281 = arith.constant 0.000000e+00 : f32
          %broadcast_in_dim3A_282 = vector.broadcast %broadcast_in_dim3A_281 : f32 to vector<16xf32>
          tpu.vector_store_idx %arg10[%add3A_218, %add3A_280], %broadcast_in_dim3A_282 : memref<64x128xf32, #tpu.memory_space<vmem>>[vector<16xi32>, vector<16xi32>], vector<16xf32>,
          %scan3A_283 = arith.constant 6 : i32
          %scan3A_284 = arith.addi %scan3A_248, %scan3A_283 : i32
          %add3A_285 = vector.broadcast %scan3A_284 : i32 to vector<16xi32>
          %add3A_286 = arith.addi %mul3A_75, %add3A_285 : vector<16xi32>
          %broadcast_in_dim3A_287 = arith.constant 0.000000e+00 : f32
          %broadcast_in_dim3A_288 = vector.broadcast %broadcast_in_dim3A_287 : f32 to vector<16xf32>
          tpu.vector_store_idx %arg10[%add3A_218, %add3A_286], %broadcast_in_dim3A_288 : memref<64x128xf32, #tpu.memory_space<vmem>>[vector<16xi32>, vector<16xi32>], vector<16xf32>,
        }
        %scan3A_247 = arith.constant 14 : i32
      }
      %scan3A_81 = arith.constant 8 : i32
      %jit3A_82 = arith.constant 2 : i32
      %div3A_83 = arith.divsi %mul3A_2, %jit3A_82 : i32
      %sign3A_84 = arith.constant 0 : i32
      %sign3A_85 = arith.cmpi sgt, %mul3A_2, %sign3A_84 : i32
      %sign3A_86 = arith.extui %sign3A_85 : i1 to i32
      %sign3A_87 = arith.constant 0 : i32
      %sign3A_88 = arith.cmpi slt, %mul3A_2, %sign3A_87 : i32
      %sign3A_89 = arith.extui %sign3A_88 : i1 to i32
      %sign3A_90 = arith.subi %sign3A_86, %sign3A_89 : i32
      %sign3A_91 = arith.constant 0 : i32
      %sign3A_92 = arith.cmpi sgt, %jit3A_82, %sign3A_91 : i32
      %sign3A_93 = arith.extui %sign3A_92 : i1 to i32
      %sign3A_94 = arith.constant 0 : i32
      %sign3A_95 = arith.cmpi slt, %jit3A_82, %sign3A_94 : i32
      %sign3A_96 = arith.extui %sign3A_95 : i1 to i32
      %sign3A_97 = arith.subi %sign3A_93, %sign3A_96 : i32
      %ne3A_98 = arith.cmpi ne, %sign3A_90, %sign3A_97 : i32
      %rem3A_99 = arith.remsi %mul3A_2, %jit3A_82 : i32
      %ne3A_100 = arith.constant 0 : i32
      %ne3A_101 = arith.cmpi ne, %rem3A_99, %ne3A_100 : i32
      %and3A_102 = arith.andi %ne3A_98, %ne3A_101 : i1
      %sub3A_103 = arith.constant 1 : i32
      %sub3A_104 = arith.subi %div3A_83, %sub3A_103 : i32
      %select_n3A_105 = arith.select %and3A_102, %sub3A_104, %div3A_83 : i32
      %mul3A_106 = arith.constant 64 : i32
      %mul3A_107 = arith.muli %mul3A_16, %mul3A_106 : i32
      %add3A_108 = arith.addi %select_n3A_105, %mul3A_107 : i32
      "tpu.region"() ({
        %run_scoped3A = tpu.sem_alloc : memref<!tpu.dma_semaphore, #tpu.memory_space<semaphore_mem>>
        %dma_start3A_210 = arith.constant 0 : i32
        %dma_start3A_211 = tpu.memref_slice %arg5[%add3A_108, %dma_start3A_210] : memref<212992x128xf32, #tpu.memory_space<hbm>> -> memref<64x128xf32, #tpu.memory_space<hbm>>
        %dma_start3A_212 = arith.constant 0 : i32
        %dma_start3A_213 = tpu.memref_slice %arg5[%add3A_108, %dma_start3A_212] : memref<212992x128xf32, #tpu.memory_space<hbm>> -> memref<64x128xf32, #tpu.memory_space<hbm>>
        tpu.enqueue_dma source(%arg10 : memref<64x128xf32, #tpu.memory_space<vmem>>) target(%dma_start3A_213 : memref<64x128xf32, #tpu.memory_space<hbm>>) target_semaphore(%run_scoped3A : memref<!tpu.dma_semaphore, #tpu.memory_space<semaphore_mem>>)
        %dma_wait3A_214 = arith.constant 0 : i32
        %dma_wait3A_215 = tpu.memref_slice %arg5[%add3A_108, %dma_wait3A_214] : memref<212992x128xf32, #tpu.memory_space<hbm>> -> memref<64x128xf32, #tpu.memory_space<hbm>>
        %dma_wait3A_216 = arith.constant 0 : i32
        %dma_wait3A_217 = tpu.memref_slice %arg5[%add3A_108, %dma_wait3A_216] : memref<212992x128xf32, #tpu.memory_space<hbm>> -> memref<64x128xf32, #tpu.memory_space<hbm>>
        tpu.wait_dma2 semaphore(%run_scoped3A : memref<!tpu.dma_semaphore, #tpu.memory_space<semaphore_mem>>) src(%arg10 : memref<64x128xf32, #tpu.memory_space<vmem>>) dst(%dma_wait3A_217 : memref<64x128xf32, #tpu.memory_space<hbm>>)
        tpu.yield
      }) : () -> ()
      %add3A_109 = arith.constant 1 : i32
      %add3A_110 = arith.addi %add3A_18, %add3A_109 : i32
      %lt3A_111 = arith.constant 104 : i32
      %lt3A_112 = arith.cmpi slt, %add3A_110, %lt3A_111 : i32
      %convert_element_type3A = arith.extui %lt3A_112 : i1 to i32
      %cond3A = arith.constant 0 : i32
      %cond3A_113 = arith.cmpi ne, %convert_element_type3A, %cond3A : i32
      scf.if %cond3A_113 {
        %add3A_210 = arith.constant 1 : i32
        %add3A_211 = arith.addi %add3A_18, %add3A_210 : i32
        %dma_start3A_212 = arith.constant 0 : i32
        %dma_start3A_213 = tpu.memref_slice %arg6[%add3A_211, %dma_start3A_212] : memref<104x128xi32, #tpu.memory_space<vmem>> -> memref<1x128xi32, #tpu.memory_space<vmem>>
        %dma_start3A_214 = tpu.memref_squeeze %dma_start3A_213 : memref<1x128xi32, #tpu.memory_space<vmem>> -> memref<128xi32, #tpu.memory_space<vmem>>
        %dma_start3A_215 = arith.constant 0 : i32
        %dma_start3A_216 = arith.constant 0 : i32
        %dma_start3A_217 = tpu.memref_slice %arg2[%dma_start3A_215, %dma_start3A_216] : memref<650000x200xf32, #tpu.memory_space<hbm>> -> memref<650000x200xf32, #tpu.memory_space<hbm>>
        tpu.enqueue_indirect_dma source(%dma_start3A_217 : memref<650000x200xf32, #tpu.memory_space<hbm>>) target(%arg8 : memref<128x200xf32, #tpu.memory_space<vmem>>) offsets(%dma_start3A_214 : memref<128xi32, #tpu.memory_space<vmem>>) semaphore(%arg12 : memref<!tpu.dma_semaphore, #tpu.memory_space<semaphore_mem>>)
      } else {
      }
      %dma_wait3A_114 = arith.constant 0 : i32
      %dma_wait3A_115 = tpu.memref_slice %arg6[%add3A_18, %dma_wait3A_114] : memref<104x128xi32, #tpu.memory_space<vmem>> -> memref<1x128xi32, #tpu.memory_space<vmem>>
      %dma_wait3A_116 = tpu.memref_squeeze %dma_wait3A_115 : memref<1x128xi32, #tpu.memory_space<vmem>> -> memref<128xi32, #tpu.memory_space<vmem>>
      %dma_wait3A_117 = arith.constant 0 : i32
      %dma_wait3A_118 = arith.constant 0 : i32
      %dma_wait3A_119 = tpu.memref_slice %arg2[%dma_wait3A_117, %dma_wait3A_118] : memref<650000x200xf32, #tpu.memory_space<hbm>> -> memref<650000x200xf32, #tpu.memory_space<hbm>>
      tpu.wait_indirect_dma semaphore(%arg13 : memref<!tpu.dma_semaphore, #tpu.memory_space<semaphore_mem>>) src(%dma_wait3A_119 : memref<650000x200xf32, #tpu.memory_space<hbm>>) dst(%arg9 : memref<128x200xf32, #tpu.memory_space<vmem>>)
      %iota3A_120 = tpu.iota {dimensions = array<i32: 0>} : vector<16xi32>
      %jit3A_121 = arith.constant 2 : i32
      %div3A_122 = vector.broadcast %jit3A_121 : i32 to vector<16xi32>
      %div3A_123 = arith.divsi %iota3A_120, %div3A_122 : vector<16xi32>
      %sign3A_124 = arith.constant 0 : i32
      %sign3A_125 = vector.broadcast %sign3A_124 : i32 to vector<16xi32>
      %sign3A_126 = arith.cmpi sgt, %iota3A_120, %sign3A_125 : vector<16xi32>
      %sign3A_127 = arith.extui %sign3A_126 : vector<16xi1> to vector<16xi32>
      %sign3A_128 = arith.constant 0 : i32
      %sign3A_129 = vector.broadcast %sign3A_128 : i32 to vector<16xi32>
      %sign3A_130 = arith.cmpi slt, %iota3A_120, %sign3A_129 : vector<16xi32>
      %sign3A_131 = arith.extui %sign3A_130 : vector<16xi1> to vector<16xi32>
      %sign3A_132 = arith.subi %sign3A_127, %sign3A_131 : vector<16xi32>
      %sign3A_133 = arith.constant 0 : i32
      %sign3A_134 = arith.cmpi sgt, %jit3A_121, %sign3A_133 : i32
      %sign3A_135 = arith.extui %sign3A_134 : i1 to i32
      %sign3A_136 = arith.constant 0 : i32
      %sign3A_137 = arith.cmpi slt, %jit3A_121, %sign3A_136 : i32
      %sign3A_138 = arith.extui %sign3A_137 : i1 to i32
      %sign3A_139 = arith.subi %sign3A_135, %sign3A_138 : i32
      %ne3A_140 = vector.broadcast %sign3A_139 : i32 to vector<16xi32>
      %ne3A_141 = arith.cmpi ne, %sign3A_132, %ne3A_140 : vector<16xi32>
      %rem3A_142 = vector.broadcast %jit3A_121 : i32 to vector<16xi32>
      %rem3A_143 = arith.remsi %iota3A_120, %rem3A_142 : vector<16xi32>
      %ne3A_144 = arith.constant 0 : i32
      %ne3A_145 = vector.broadcast %ne3A_144 : i32 to vector<16xi32>
      %ne3A_146 = arith.cmpi ne, %rem3A_143, %ne3A_145 : vector<16xi32>
      %and3A_147 = arith.andi %ne3A_141, %ne3A_146 : vector<16xi1>
      %sub3A_148 = arith.constant 1 : i32
      %sub3A_149 = vector.broadcast %sub3A_148 : i32 to vector<16xi32>
      %sub3A_150 = arith.subi %div3A_123, %sub3A_149 : vector<16xi32>
      %select_n3A_151 = arith.select %and3A_147, %sub3A_150, %div3A_123 : vector<16xi1>, vector<16xi32>
      %jit3A_152 = arith.constant 2 : i32
      %eq3A_153 = arith.constant 0 : i32
      %eq3A_154 = arith.cmpi eq, %jit3A_152, %eq3A_153 : i32
      %jit3A_155 = arith.constant 1 : i32
      %select_n3A_156 = arith.select %eq3A_154, %jit3A_155, %jit3A_152 : i32
      %rem3A_157 = vector.broadcast %select_n3A_156 : i32 to vector<16xi32>
      %rem3A_158 = arith.remsi %iota3A_120, %rem3A_157 : vector<16xi32>
      %ne3A_159 = arith.constant 0 : i32
      %ne3A_160 = vector.broadcast %ne3A_159 : i32 to vector<16xi32>
      %ne3A_161 = arith.cmpi ne, %rem3A_158, %ne3A_160 : vector<16xi32>
      %lt3A_162 = arith.constant 0 : i32
      %lt3A_163 = vector.broadcast %lt3A_162 : i32 to vector<16xi32>
      %lt3A_164 = arith.cmpi slt, %rem3A_158, %lt3A_163 : vector<16xi32>
      %lt3A_165 = arith.constant 0 : i32
      %lt3A_166 = arith.cmpi slt, %select_n3A_156, %lt3A_165 : i32
      %ne3A_167 = vector.broadcast %lt3A_166 : i1 to vector<16xi1>
      %ne3A_168 = vector.broadcast %ne3A_167 : vector<16xi1> to vector<16xi1>
      %ne3A_169 = arith.xori %lt3A_164, %ne3A_168 : vector<16xi1>
      %and3A_170 = arith.andi %ne3A_169, %ne3A_161 : vector<16xi1>
      %add3A_171 = vector.broadcast %select_n3A_156 : i32 to vector<16xi32>
      %add3A_172 = arith.addi %rem3A_158, %add3A_171 : vector<16xi32>
      %select_n3A_173 = arith.select %and3A_170, %add3A_172, %rem3A_158 : vector<16xi1>, vector<16xi32>
      %mul3A_174 = arith.constant 64 : i32
      %mul3A_175 = vector.broadcast %mul3A_174 : i32 to vector<16xi32>
      %mul3A_176 = arith.muli %select_n3A_173, %mul3A_175 : vector<16xi32>
      %scan3A_177 = arith.constant 0 : i32
      %scan3A_178 = arith.constant 0 : i32
      %scan3A_179 = arith.constant 8 : i32
      %scan3A_180 = arith.addi %scan3A_178, %scan3A_179 : i32
      %scan3A_181 = arith.constant 1 : i32
      scf.for %scan3A_210 = %scan3A_178 to %scan3A_180 step %scan3A_181  : i32 {
        %mul3A_211 = arith.constant 16 : i32
        %mul3A_212 = arith.muli %scan3A_210, %mul3A_211 : i32
        %add3A_213 = vector.broadcast %mul3A_212 : i32 to vector<16xi32>
        %add3A_214 = arith.addi %add3A_213, %iota3A_120 : vector<16xi32>
        %mul3A_215 = arith.constant 8 : i32
        %mul3A_216 = arith.muli %scan3A_210, %mul3A_215 : i32
        %add3A_217 = vector.broadcast %mul3A_216 : i32 to vector<16xi32>
        %add3A_218 = arith.addi %add3A_217, %select_n3A_151 : vector<16xi32>
        %broadcast_in_dim3A = arith.constant 0 : i32
        %broadcast_in_dim3A_219 = vector.broadcast %broadcast_in_dim3A : i32 to vector<16xi32>
        %add3A_220 = vector.broadcast %add3A_18 : i32 to vector<16xi32>
        %add3A_221 = arith.addi %broadcast_in_dim3A_219, %add3A_220 : vector<16xi32>
        %gather3A = tpu.vector_load_idx %arg7[%add3A_221, %add3A_214] : memref<104x128xi32, #tpu.memory_space<vmem>>[vector<16xi32>, vector<16xi32>], vector<16xi32>,
        %scan3A_222 = arith.constant 0 : i32
        %scan3A_223 = arith.constant 0 : i32
        %scan3A_224 = arith.constant 48 : i32
        %scan3A_225 = arith.addi %scan3A_223, %scan3A_224 : i32
        %scan3A_226 = arith.constant 8 : i32
        scf.for %scan3A_248 = %scan3A_223 to %scan3A_225 step %scan3A_226  : i32 {
          %add3A_249 = vector.broadcast %scan3A_248 : i32 to vector<16xi32>
          %add3A_250 = arith.addi %gather3A, %add3A_249 : vector<16xi32>
          %gather3A_251 = tpu.vector_load_idx %arg9[%add3A_214, %add3A_250] : memref<128x200xf32, #tpu.memory_space<vmem>>[vector<16xi32>, vector<16xi32>], vector<16xf32>,
          %add3A_252 = vector.broadcast %scan3A_248 : i32 to vector<16xi32>
          %add3A_253 = arith.addi %mul3A_176, %add3A_252 : vector<16xi32>
          tpu.vector_store_idx %arg11[%add3A_218, %add3A_253], %gather3A_251 : memref<64x128xf32, #tpu.memory_space<vmem>>[vector<16xi32>, vector<16xi32>], vector<16xf32>,
          %scan3A_254 = arith.constant 1 : i32
          %scan3A_255 = arith.addi %scan3A_248, %scan3A_254 : i32
          %add3A_256 = vector.broadcast %scan3A_255 : i32 to vector<16xi32>
          %add3A_257 = arith.addi %gather3A, %add3A_256 : vector<16xi32>
          %gather3A_258 = tpu.vector_load_idx %arg9[%add3A_214, %add3A_257] : memref<128x200xf32, #tpu.memory_space<vmem>>[vector<16xi32>, vector<16xi32>], vector<16xf32>,
          %add3A_259 = vector.broadcast %scan3A_255 : i32 to vector<16xi32>
          %add3A_260 = arith.addi %mul3A_176, %add3A_259 : vector<16xi32>
          tpu.vector_store_idx %arg11[%add3A_218, %add3A_260], %gather3A_258 : memref<64x128xf32, #tpu.memory_space<vmem>>[vector<16xi32>, vector<16xi32>], vector<16xf32>,
          %scan3A_261 = arith.constant 2 : i32
          %scan3A_262 = arith.addi %scan3A_248, %scan3A_261 : i32
          %add3A_263 = vector.broadcast %scan3A_262 : i32 to vector<16xi32>
          %add3A_264 = arith.addi %gather3A, %add3A_263 : vector<16xi32>
          %gather3A_265 = tpu.vector_load_idx %arg9[%add3A_214, %add3A_264] : memref<128x200xf32, #tpu.memory_space<vmem>>[vector<16xi32>, vector<16xi32>], vector<16xf32>,
          %add3A_266 = vector.broadcast %scan3A_262 : i32 to vector<16xi32>
          %add3A_267 = arith.addi %mul3A_176, %add3A_266 : vector<16xi32>
          tpu.vector_store_idx %arg11[%add3A_218, %add3A_267], %gather3A_265 : memref<64x128xf32, #tpu.memory_space<vmem>>[vector<16xi32>, vector<16xi32>], vector<16xf32>,
          %scan3A_268 = arith.constant 3 : i32
          %scan3A_269 = arith.addi %scan3A_248, %scan3A_268 : i32
          %add3A_270 = vector.broadcast %scan3A_269 : i32 to vector<16xi32>
          %add3A_271 = arith.addi %gather3A, %add3A_270 : vector<16xi32>
          %gather3A_272 = tpu.vector_load_idx %arg9[%add3A_214, %add3A_271] : memref<128x200xf32, #tpu.memory_space<vmem>>[vector<16xi32>, vector<16xi32>], vector<16xf32>,
          %add3A_273 = vector.broadcast %scan3A_269 : i32 to vector<16xi32>
          %add3A_274 = arith.addi %mul3A_176, %add3A_273 : vector<16xi32>
          tpu.vector_store_idx %arg11[%add3A_218, %add3A_274], %gather3A_272 : memref<64x128xf32, #tpu.memory_space<vmem>>[vector<16xi32>, vector<16xi32>], vector<16xf32>,
          %scan3A_275 = arith.constant 4 : i32
          %scan3A_276 = arith.addi %scan3A_248, %scan3A_275 : i32
          %add3A_277 = vector.broadcast %scan3A_276 : i32 to vector<16xi32>
          %add3A_278 = arith.addi %gather3A, %add3A_277 : vector<16xi32>
          %gather3A_279 = tpu.vector_load_idx %arg9[%add3A_214, %add3A_278] : memref<128x200xf32, #tpu.memory_space<vmem>>[vector<16xi32>, vector<16xi32>], vector<16xf32>,
          %add3A_280 = vector.broadcast %scan3A_276 : i32 to vector<16xi32>
          %add3A_281 = arith.addi %mul3A_176, %add3A_280 : vector<16xi32>
          tpu.vector_store_idx %arg11[%add3A_218, %add3A_281], %gather3A_279 : memref<64x128xf32, #tpu.memory_space<vmem>>[vector<16xi32>, vector<16xi32>], vector<16xf32>,
          %scan3A_282 = arith.constant 5 : i32
          %scan3A_283 = arith.addi %scan3A_248, %scan3A_282 : i32
          %add3A_284 = vector.broadcast %scan3A_283 : i32 to vector<16xi32>
          %add3A_285 = arith.addi %gather3A, %add3A_284 : vector<16xi32>
          %gather3A_286 = tpu.vector_load_idx %arg9[%add3A_214, %add3A_285] : memref<128x200xf32, #tpu.memory_space<vmem>>[vector<16xi32>, vector<16xi32>], vector<16xf32>,
          %add3A_287 = vector.broadcast %scan3A_283 : i32 to vector<16xi32>
          %add3A_288 = arith.addi %mul3A_176, %add3A_287 : vector<16xi32>
          tpu.vector_store_idx %arg11[%add3A_218, %add3A_288], %gather3A_286 : memref<64x128xf32, #tpu.memory_space<vmem>>[vector<16xi32>, vector<16xi32>], vector<16xf32>,
          %scan3A_289 = arith.constant 6 : i32
          %scan3A_290 = arith.addi %scan3A_248, %scan3A_289 : i32
          %add3A_291 = vector.broadcast %scan3A_290 : i32 to vector<16xi32>
          %add3A_292 = arith.addi %gather3A, %add3A_291 : vector<16xi32>
          %gather3A_293 = tpu.vector_load_idx %arg9[%add3A_214, %add3A_292] : memref<128x200xf32, #tpu.memory_space<vmem>>[vector<16xi32>, vector<16xi32>], vector<16xf32>,
          %add3A_294 = vector.broadcast %scan3A_290 : i32 to vector<16xi32>
          %add3A_295 = arith.addi %mul3A_176, %add3A_294 : vector<16xi32>
          tpu.vector_store_idx %arg11[%add3A_218, %add3A_295], %gather3A_293 : memref<64x128xf32, #tpu.memory_space<vmem>>[vector<16xi32>, vector<16xi32>], vector<16xf32>,
          %scan3A_296 = arith.constant 7 : i32
          %scan3A_297 = arith.addi %scan3A_248, %scan3A_296 : i32
          %add3A_298 = vector.broadcast %scan3A_297 : i32 to vector<16xi32>
          %add3A_299 = arith.addi %gather3A, %add3A_298 : vector<16xi32>
          %gather3A_300 = tpu.vector_load_idx %arg9[%add3A_214, %add3A_299] : memref<128x200xf32, #tpu.memory_space<vmem>>[vector<16xi32>, vector<16xi32>], vector<16xf32>,
          %add3A_301 = vector.broadcast %scan3A_297 : i32 to vector<16xi32>
          %add3A_302 = arith.addi %mul3A_176, %add3A_301 : vector<16xi32>
          tpu.vector_store_idx %arg11[%add3A_218, %add3A_302], %gather3A_300 : memref<64x128xf32, #tpu.memory_space<vmem>>[vector<16xi32>, vector<16xi32>], vector<16xf32>,
        }
        %scan3A_227 = arith.constant 48 : i32
        %scan3A_228 = arith.addi %scan3A_223, %scan3A_227 : i32
        %add3A_229 = vector.broadcast %scan3A_228 : i32 to vector<16xi32>
        %add3A_230 = arith.addi %gather3A, %add3A_229 : vector<16xi32>
        %gather3A_231 = tpu.vector_load_idx %arg9[%add3A_214, %add3A_230] : memref<128x200xf32, #tpu.memory_space<vmem>>[vector<16xi32>, vector<16xi32>], vector<16xf32>,
        %add3A_232 = vector.broadcast %scan3A_228 : i32 to vector<16xi32>
        %add3A_233 = arith.addi %mul3A_176, %add3A_232 : vector<16xi32>
        tpu.vector_store_idx %arg11[%add3A_218, %add3A_233], %gather3A_231 : memref<64x128xf32, #tpu.memory_space<vmem>>[vector<16xi32>, vector<16xi32>], vector<16xf32>,
        %scan3A_234 = arith.constant 49 : i32
        %scan3A_235 = arith.addi %scan3A_223, %scan3A_234 : i32
        %add3A_236 = vector.broadcast %scan3A_235 : i32 to vector<16xi32>
        %add3A_237 = arith.addi %gather3A, %add3A_236 : vector<16xi32>
        %gather3A_238 = tpu.vector_load_idx %arg9[%add3A_214, %add3A_237] : memref<128x200xf32, #tpu.memory_space<vmem>>[vector<16xi32>, vector<16xi32>], vector<16xf32>,
        %add3A_239 = vector.broadcast %scan3A_235 : i32 to vector<16xi32>
        %add3A_240 = arith.addi %mul3A_176, %add3A_239 : vector<16xi32>
        tpu.vector_store_idx %arg11[%add3A_218, %add3A_240], %gather3A_238 : memref<64x128xf32, #tpu.memory_space<vmem>>[vector<16xi32>, vector<16xi32>], vector<16xf32>,
        %scan3A_241 = arith.constant 50 : i32
        %scan3A_242 = arith.constant 0 : i32
        %scan3A_243 = arith.constant 50 : i32
        %scan3A_244 = arith.constant 14 : i32
        %scan3A_245 = arith.addi %scan3A_243, %scan3A_244 : i32
        %scan3A_246 = arith.constant 7 : i32
        scf.for %scan3A_248 = %scan3A_243 to %scan3A_245 step %scan3A_246  : i32 {
          %add3A_249 = vector.broadcast %scan3A_248 : i32 to vector<16xi32>
          %add3A_250 = arith.addi %mul3A_176, %add3A_249 : vector<16xi32>
          %broadcast_in_dim3A_251 = arith.constant 0.000000e+00 : f32
          %broadcast_in_dim3A_252 = vector.broadcast %broadcast_in_dim3A_251 : f32 to vector<16xf32>
          tpu.vector_store_idx %arg11[%add3A_218, %add3A_250], %broadcast_in_dim3A_252 : memref<64x128xf32, #tpu.memory_space<vmem>>[vector<16xi32>, vector<16xi32>], vector<16xf32>,
          %scan3A_253 = arith.constant 1 : i32
          %scan3A_254 = arith.addi %scan3A_248, %scan3A_253 : i32
          %add3A_255 = vector.broadcast %scan3A_254 : i32 to vector<16xi32>
          %add3A_256 = arith.addi %mul3A_176, %add3A_255 : vector<16xi32>
          %broadcast_in_dim3A_257 = arith.constant 0.000000e+00 : f32
          %broadcast_in_dim3A_258 = vector.broadcast %broadcast_in_dim3A_257 : f32 to vector<16xf32>
          tpu.vector_store_idx %arg11[%add3A_218, %add3A_256], %broadcast_in_dim3A_258 : memref<64x128xf32, #tpu.memory_space<vmem>>[vector<16xi32>, vector<16xi32>], vector<16xf32>,
          %scan3A_259 = arith.constant 2 : i32
          %scan3A_260 = arith.addi %scan3A_248, %scan3A_259 : i32
          %add3A_261 = vector.broadcast %scan3A_260 : i32 to vector<16xi32>
          %add3A_262 = arith.addi %mul3A_176, %add3A_261 : vector<16xi32>
          %broadcast_in_dim3A_263 = arith.constant 0.000000e+00 : f32
          %broadcast_in_dim3A_264 = vector.broadcast %broadcast_in_dim3A_263 : f32 to vector<16xf32>
          tpu.vector_store_idx %arg11[%add3A_218, %add3A_262], %broadcast_in_dim3A_264 : memref<64x128xf32, #tpu.memory_space<vmem>>[vector<16xi32>, vector<16xi32>], vector<16xf32>,
          %scan3A_265 = arith.constant 3 : i32
          %scan3A_266 = arith.addi %scan3A_248, %scan3A_265 : i32
          %add3A_267 = vector.broadcast %scan3A_266 : i32 to vector<16xi32>
          %add3A_268 = arith.addi %mul3A_176, %add3A_267 : vector<16xi32>
          %broadcast_in_dim3A_269 = arith.constant 0.000000e+00 : f32
          %broadcast_in_dim3A_270 = vector.broadcast %broadcast_in_dim3A_269 : f32 to vector<16xf32>
          tpu.vector_store_idx %arg11[%add3A_218, %add3A_268], %broadcast_in_dim3A_270 : memref<64x128xf32, #tpu.memory_space<vmem>>[vector<16xi32>, vector<16xi32>], vector<16xf32>,
          %scan3A_271 = arith.constant 4 : i32
          %scan3A_272 = arith.addi %scan3A_248, %scan3A_271 : i32
          %add3A_273 = vector.broadcast %scan3A_272 : i32 to vector<16xi32>
          %add3A_274 = arith.addi %mul3A_176, %add3A_273 : vector<16xi32>
          %broadcast_in_dim3A_275 = arith.constant 0.000000e+00 : f32
          %broadcast_in_dim3A_276 = vector.broadcast %broadcast_in_dim3A_275 : f32 to vector<16xf32>
          tpu.vector_store_idx %arg11[%add3A_218, %add3A_274], %broadcast_in_dim3A_276 : memref<64x128xf32, #tpu.memory_space<vmem>>[vector<16xi32>, vector<16xi32>], vector<16xf32>,
          %scan3A_277 = arith.constant 5 : i32
          %scan3A_278 = arith.addi %scan3A_248, %scan3A_277 : i32
          %add3A_279 = vector.broadcast %scan3A_278 : i32 to vector<16xi32>
          %add3A_280 = arith.addi %mul3A_176, %add3A_279 : vector<16xi32>
          %broadcast_in_dim3A_281 = arith.constant 0.000000e+00 : f32
          %broadcast_in_dim3A_282 = vector.broadcast %broadcast_in_dim3A_281 : f32 to vector<16xf32>
          tpu.vector_store_idx %arg11[%add3A_218, %add3A_280], %broadcast_in_dim3A_282 : memref<64x128xf32, #tpu.memory_space<vmem>>[vector<16xi32>, vector<16xi32>], vector<16xf32>,
          %scan3A_283 = arith.constant 6 : i32
          %scan3A_284 = arith.addi %scan3A_248, %scan3A_283 : i32
          %add3A_285 = vector.broadcast %scan3A_284 : i32 to vector<16xi32>
          %add3A_286 = arith.addi %mul3A_176, %add3A_285 : vector<16xi32>
          %broadcast_in_dim3A_287 = arith.constant 0.000000e+00 : f32
          %broadcast_in_dim3A_288 = vector.broadcast %broadcast_in_dim3A_287 : f32 to vector<16xf32>
          tpu.vector_store_idx %arg11[%add3A_218, %add3A_286], %broadcast_in_dim3A_288 : memref<64x128xf32, #tpu.memory_space<vmem>>[vector<16xi32>, vector<16xi32>], vector<16xf32>,
        }
        %scan3A_247 = arith.constant 14 : i32
      }
      %scan3A_182 = arith.constant 8 : i32
      %jit3A_183 = arith.constant 2 : i32
      %div3A_184 = arith.divsi %mul3A_2, %jit3A_183 : i32
      %sign3A_185 = arith.constant 0 : i32
      %sign3A_186 = arith.cmpi sgt, %mul3A_2, %sign3A_185 : i32
      %sign3A_187 = arith.extui %sign3A_186 : i1 to i32
      %sign3A_188 = arith.constant 0 : i32
      %sign3A_189 = arith.cmpi slt, %mul3A_2, %sign3A_188 : i32
      %sign3A_190 = arith.extui %sign3A_189 : i1 to i32
      %sign3A_191 = arith.subi %sign3A_187, %sign3A_190 : i32
      %sign3A_192 = arith.constant 0 : i32
      %sign3A_193 = arith.cmpi sgt, %jit3A_183, %sign3A_192 : i32
      %sign3A_194 = arith.extui %sign3A_193 : i1 to i32
      %sign3A_195 = arith.constant 0 : i32
      %sign3A_196 = arith.cmpi slt, %jit3A_183, %sign3A_195 : i32
      %sign3A_197 = arith.extui %sign3A_196 : i1 to i32
      %sign3A_198 = arith.subi %sign3A_194, %sign3A_197 : i32
      %ne3A_199 = arith.cmpi ne, %sign3A_191, %sign3A_198 : i32
      %rem3A_200 = arith.remsi %mul3A_2, %jit3A_183 : i32
      %ne3A_201 = arith.constant 0 : i32
      %ne3A_202 = arith.cmpi ne, %rem3A_200, %ne3A_201 : i32
      %and3A_203 = arith.andi %ne3A_199, %ne3A_202 : i1
      %sub3A_204 = arith.constant 1 : i32
      %sub3A_205 = arith.subi %div3A_184, %sub3A_204 : i32
      %select_n3A_206 = arith.select %and3A_203, %sub3A_205, %div3A_184 : i32
      %mul3A_207 = arith.constant 64 : i32
      %mul3A_208 = arith.muli %add3A_18, %mul3A_207 : i32
      %add3A_209 = arith.addi %select_n3A_206, %mul3A_208 : i32
      "tpu.region"() ({
        %run_scoped3A = tpu.sem_alloc : memref<!tpu.dma_semaphore, #tpu.memory_space<semaphore_mem>>
        %dma_start3A_210 = arith.constant 0 : i32
        %dma_start3A_211 = tpu.memref_slice %arg5[%add3A_209, %dma_start3A_210] : memref<212992x128xf32, #tpu.memory_space<hbm>> -> memref<64x128xf32, #tpu.memory_space<hbm>>
        %dma_start3A_212 = arith.constant 0 : i32
        %dma_start3A_213 = tpu.memref_slice %arg5[%add3A_209, %dma_start3A_212] : memref<212992x128xf32, #tpu.memory_space<hbm>> -> memref<64x128xf32, #tpu.memory_space<hbm>>
        tpu.enqueue_dma source(%arg11 : memref<64x128xf32, #tpu.memory_space<vmem>>) target(%dma_start3A_213 : memref<64x128xf32, #tpu.memory_space<hbm>>) target_semaphore(%run_scoped3A : memref<!tpu.dma_semaphore, #tpu.memory_space<semaphore_mem>>)
        %dma_wait3A_214 = arith.constant 0 : i32
        %dma_wait3A_215 = tpu.memref_slice %arg5[%add3A_209, %dma_wait3A_214] : memref<212992x128xf32, #tpu.memory_space<hbm>> -> memref<64x128xf32, #tpu.memory_space<hbm>>
        %dma_wait3A_216 = arith.constant 0 : i32
        %dma_wait3A_217 = tpu.memref_slice %arg5[%add3A_209, %dma_wait3A_216] : memref<212992x128xf32, #tpu.memory_space<hbm>> -> memref<64x128xf32, #tpu.memory_space<hbm>>
        tpu.wait_dma2 semaphore(%run_scoped3A : memref<!tpu.dma_semaphore, #tpu.memory_space<semaphore_mem>>) src(%arg11 : memref<64x128xf32, #tpu.memory_space<vmem>>) dst(%dma_wait3A_217 : memref<64x128xf32, #tpu.memory_space<hbm>>)
        tpu.yield
      }) : () -> ()
    }
    %scan3A_13 = arith.constant 52 : i32
    return
  }
}

module attributes {stable_mosaic.version = 14 : i64} {
  func.func @_mlp_body(%arg0: i32, %arg1: memref<128x13x8x128xf32, #tpu.memory_space<vmem>>, %arg2: memref<1024x13xf32, #tpu.memory_space<vmem>>, %arg3: memref<1664x512xf32, #tpu.memory_space<vmem>>, %arg4: memref<13x512xf32, #tpu.memory_space<vmem>>, %arg5: memref<1x512xf32, #tpu.memory_space<vmem>>, %arg6: memref<512x256xf32, #tpu.memory_space<vmem>>, %arg7: memref<1x256xf32, #tpu.memory_space<vmem>>, %arg8: memref<256x32xf32, #tpu.memory_space<vmem>>, %arg9: memref<1x32xf32, #tpu.memory_space<vmem>>, %arg10: memref<32x1xf32, #tpu.memory_space<vmem>>, %arg11: memref<1x1xf32, #tpu.memory_space<vmem>>, %arg12: memref<1024x1xf32, #tpu.memory_space<vmem>>) attributes {dimension_semantics = [#tpu.dimension_semantics<arbitrary>], iteration_bounds = array<i64: 16>, scalar_prefetch = 0 : i64, scratch_operands = 0 : i64, tpu.core_type = #tpu.core_type<tc>, window_params = [{transform_indices = @transform_0, window_bounds = array<i64: 128, 13, 8, 128>}, {transform_indices = @transform_1, window_bounds = array<i64: 1024, 13>}, {pipeline_mode = #tpu.pipeline_mode<synchronous>, transform_indices = @transform_2, window_bounds = array<i64: 1664, 512>}, {pipeline_mode = #tpu.pipeline_mode<synchronous>, transform_indices = @transform_3, window_bounds = array<i64: 13, 512>}, {pipeline_mode = #tpu.pipeline_mode<synchronous>, transform_indices = @transform_4, window_bounds = array<i64: 1, 512>}, {pipeline_mode = #tpu.pipeline_mode<synchronous>, transform_indices = @transform_5, window_bounds = array<i64: 512, 256>}, {pipeline_mode = #tpu.pipeline_mode<synchronous>, transform_indices = @transform_6, window_bounds = array<i64: 1, 256>}, {pipeline_mode = #tpu.pipeline_mode<synchronous>, transform_indices = @transform_7, window_bounds = array<i64: 256, 32>}, {pipeline_mode = #tpu.pipeline_mode<synchronous>, transform_indices = @transform_8, window_bounds = array<i64: 1, 32>}, {pipeline_mode = #tpu.pipeline_mode<synchronous>, transform_indices = @transform_9, window_bounds = array<i64: 32, 1>}, {pipeline_mode = #tpu.pipeline_mode<synchronous>, transform_indices = @transform_10, window_bounds = array<i64: 1, 1>}, {transform_indices = @transform_11, window_bounds = array<i64: 1024, 1>}]} {
    %get3A = arith.constant 0 : index
    %get3A_0 = arith.constant 0 : index
    %get3A_1 = arith.constant 0 : index
    %get3A_2 = arith.constant 0 : index
    %get3A_3 = vector.load %arg1[%get3A, %get3A_0, %get3A_1, %get3A_2] : memref<128x13x8x128xf32, #tpu.memory_space<vmem>>, vector<128x1x8x128xf32>
    %get3A_4 = vector.shape_cast %get3A_3 : vector<128x1x8x128xf32> to vector<128x8x128xf32>
    %reshape3A = vector.shape_cast %get3A_4 : vector<128x8x128xf32> to vector<1024x128xf32>
    %get3A_5 = arith.constant 0 : index
    %get3A_6 = arith.constant 1 : index
    %get3A_7 = arith.constant 0 : index
    %get3A_8 = arith.constant 0 : index
    %get3A_9 = vector.load %arg1[%get3A_5, %get3A_6, %get3A_7, %get3A_8] : memref<128x13x8x128xf32, #tpu.memory_space<vmem>>, vector<128x1x8x128xf32>
    %get3A_10 = vector.shape_cast %get3A_9 : vector<128x1x8x128xf32> to vector<128x8x128xf32>
    %reshape3A_11 = vector.shape_cast %get3A_10 : vector<128x8x128xf32> to vector<1024x128xf32>
    %get3A_12 = arith.constant 0 : index
    %get3A_13 = arith.constant 2 : index
    %get3A_14 = arith.constant 0 : index
    %get3A_15 = arith.constant 0 : index
    %get3A_16 = vector.load %arg1[%get3A_12, %get3A_13, %get3A_14, %get3A_15] : memref<128x13x8x128xf32, #tpu.memory_space<vmem>>, vector<128x1x8x128xf32>
    %get3A_17 = vector.shape_cast %get3A_16 : vector<128x1x8x128xf32> to vector<128x8x128xf32>
    %reshape3A_18 = vector.shape_cast %get3A_17 : vector<128x8x128xf32> to vector<1024x128xf32>
    %get3A_19 = arith.constant 0 : index
    %get3A_20 = arith.constant 3 : index
    %get3A_21 = arith.constant 0 : index
    %get3A_22 = arith.constant 0 : index
    %get3A_23 = vector.load %arg1[%get3A_19, %get3A_20, %get3A_21, %get3A_22] : memref<128x13x8x128xf32, #tpu.memory_space<vmem>>, vector<128x1x8x128xf32>
    %get3A_24 = vector.shape_cast %get3A_23 : vector<128x1x8x128xf32> to vector<128x8x128xf32>
    %reshape3A_25 = vector.shape_cast %get3A_24 : vector<128x8x128xf32> to vector<1024x128xf32>
    %get3A_26 = arith.constant 0 : index
    %get3A_27 = arith.constant 4 : index
    %get3A_28 = arith.constant 0 : index
    %get3A_29 = arith.constant 0 : index
    %get3A_30 = vector.load %arg1[%get3A_26, %get3A_27, %get3A_28, %get3A_29] : memref<128x13x8x128xf32, #tpu.memory_space<vmem>>, vector<128x1x8x128xf32>
    %get3A_31 = vector.shape_cast %get3A_30 : vector<128x1x8x128xf32> to vector<128x8x128xf32>
    %reshape3A_32 = vector.shape_cast %get3A_31 : vector<128x8x128xf32> to vector<1024x128xf32>
    %get3A_33 = arith.constant 0 : index
    %get3A_34 = arith.constant 5 : index
    %get3A_35 = arith.constant 0 : index
    %get3A_36 = arith.constant 0 : index
    %get3A_37 = vector.load %arg1[%get3A_33, %get3A_34, %get3A_35, %get3A_36] : memref<128x13x8x128xf32, #tpu.memory_space<vmem>>, vector<128x1x8x128xf32>
    %get3A_38 = vector.shape_cast %get3A_37 : vector<128x1x8x128xf32> to vector<128x8x128xf32>
    %reshape3A_39 = vector.shape_cast %get3A_38 : vector<128x8x128xf32> to vector<1024x128xf32>
    %get3A_40 = arith.constant 0 : index
    %get3A_41 = arith.constant 6 : index
    %get3A_42 = arith.constant 0 : index
    %get3A_43 = arith.constant 0 : index
    %get3A_44 = vector.load %arg1[%get3A_40, %get3A_41, %get3A_42, %get3A_43] : memref<128x13x8x128xf32, #tpu.memory_space<vmem>>, vector<128x1x8x128xf32>
    %get3A_45 = vector.shape_cast %get3A_44 : vector<128x1x8x128xf32> to vector<128x8x128xf32>
    %reshape3A_46 = vector.shape_cast %get3A_45 : vector<128x8x128xf32> to vector<1024x128xf32>
    %get3A_47 = arith.constant 0 : index
    %get3A_48 = arith.constant 7 : index
    %get3A_49 = arith.constant 0 : index
    %get3A_50 = arith.constant 0 : index
    %get3A_51 = vector.load %arg1[%get3A_47, %get3A_48, %get3A_49, %get3A_50] : memref<128x13x8x128xf32, #tpu.memory_space<vmem>>, vector<128x1x8x128xf32>
    %get3A_52 = vector.shape_cast %get3A_51 : vector<128x1x8x128xf32> to vector<128x8x128xf32>
    %reshape3A_53 = vector.shape_cast %get3A_52 : vector<128x8x128xf32> to vector<1024x128xf32>
    %get3A_54 = arith.constant 0 : index
    %get3A_55 = arith.constant 8 : index
    %get3A_56 = arith.constant 0 : index
    %get3A_57 = arith.constant 0 : index
    %get3A_58 = vector.load %arg1[%get3A_54, %get3A_55, %get3A_56, %get3A_57] : memref<128x13x8x128xf32, #tpu.memory_space<vmem>>, vector<128x1x8x128xf32>
    %get3A_59 = vector.shape_cast %get3A_58 : vector<128x1x8x128xf32> to vector<128x8x128xf32>
    %reshape3A_60 = vector.shape_cast %get3A_59 : vector<128x8x128xf32> to vector<1024x128xf32>
    %get3A_61 = arith.constant 0 : index
    %get3A_62 = arith.constant 9 : index
    %get3A_63 = arith.constant 0 : index
    %get3A_64 = arith.constant 0 : index
    %get3A_65 = vector.load %arg1[%get3A_61, %get3A_62, %get3A_63, %get3A_64] : memref<128x13x8x128xf32, #tpu.memory_space<vmem>>, vector<128x1x8x128xf32>
    %get3A_66 = vector.shape_cast %get3A_65 : vector<128x1x8x128xf32> to vector<128x8x128xf32>
    %reshape3A_67 = vector.shape_cast %get3A_66 : vector<128x8x128xf32> to vector<1024x128xf32>
    %get3A_68 = arith.constant 0 : index
    %get3A_69 = arith.constant 10 : index
    %get3A_70 = arith.constant 0 : index
    %get3A_71 = arith.constant 0 : index
    %get3A_72 = vector.load %arg1[%get3A_68, %get3A_69, %get3A_70, %get3A_71] : memref<128x13x8x128xf32, #tpu.memory_space<vmem>>, vector<128x1x8x128xf32>
    %get3A_73 = vector.shape_cast %get3A_72 : vector<128x1x8x128xf32> to vector<128x8x128xf32>
    %reshape3A_74 = vector.shape_cast %get3A_73 : vector<128x8x128xf32> to vector<1024x128xf32>
    %get3A_75 = arith.constant 0 : index
    %get3A_76 = arith.constant 11 : index
    %get3A_77 = arith.constant 0 : index
    %get3A_78 = arith.constant 0 : index
    %get3A_79 = vector.load %arg1[%get3A_75, %get3A_76, %get3A_77, %get3A_78] : memref<128x13x8x128xf32, #tpu.memory_space<vmem>>, vector<128x1x8x128xf32>
    %get3A_80 = vector.shape_cast %get3A_79 : vector<128x1x8x128xf32> to vector<128x8x128xf32>
    %reshape3A_81 = vector.shape_cast %get3A_80 : vector<128x8x128xf32> to vector<1024x128xf32>
    %get3A_82 = arith.constant 0 : index
    %get3A_83 = arith.constant 12 : index
    %get3A_84 = arith.constant 0 : index
    %get3A_85 = arith.constant 0 : index
    %get3A_86 = vector.load %arg1[%get3A_82, %get3A_83, %get3A_84, %get3A_85] : memref<128x13x8x128xf32, #tpu.memory_space<vmem>>, vector<128x1x8x128xf32>
    %get3A_87 = vector.shape_cast %get3A_86 : vector<128x1x8x128xf32> to vector<128x8x128xf32>
    %reshape3A_88 = vector.shape_cast %get3A_87 : vector<128x8x128xf32> to vector<1024x128xf32>
    %concatenate3A = tpu.concatenate %reshape3A, %reshape3A_11, %reshape3A_18, %reshape3A_25, %reshape3A_32, %reshape3A_39, %reshape3A_46, %reshape3A_53, %reshape3A_60, %reshape3A_67, %reshape3A_74, %reshape3A_81, %reshape3A_88 in 1 : vector<1024x128xf32>, vector<1024x128xf32>, vector<1024x128xf32>, vector<1024x128xf32>, vector<1024x128xf32>, vector<1024x128xf32>, vector<1024x128xf32>, vector<1024x128xf32>, vector<1024x128xf32>, vector<1024x128xf32>, vector<1024x128xf32>, vector<1024x128xf32>, vector<1024x128xf32> -> vector<1024x1664xf32>
    %get3A_89 = arith.constant 0 : index
    %get3A_90 = arith.constant 0 : index
    %get3A_91 = vector.load %arg3[%get3A_89, %get3A_90] : memref<1664x512xf32, #tpu.memory_space<vmem>>, vector<1664x512xf32>
    %dot_general3A = arith.constant dense<0.000000e+00> : vector<1024x512xf32>
    %dot_general3A_92 = tpu.matmul %concatenate3A, %get3A_91, %dot_general3A {dimension_numbers = #tpu.dot_dimension_numbers<[1], [0], [0], [1], [0, 0, 1, 1], [], []>, precision = #tpu.contract_precision<fp32>, transpose_lhs_hint = false} : vector<1024x1664xf32>, vector<1664x512xf32>, vector<1024x512xf32> -> vector<1024x512xf32>
    %get3A_93 = arith.constant 0 : index
    %get3A_94 = arith.constant 0 : index
    %get3A_95 = vector.load %arg2[%get3A_93, %get3A_94] : memref<1024x13xf32, #tpu.memory_space<vmem>>, vector<1024x13xf32>
    %get3A_96 = arith.constant 0 : index
    %get3A_97 = arith.constant 0 : index
    %get3A_98 = vector.load %arg4[%get3A_96, %get3A_97] : memref<13x512xf32, #tpu.memory_space<vmem>>, vector<13x512xf32>
    %dot_general3A_99 = arith.constant dense<0.000000e+00> : vector<1024x512xf32>
    %dot_general3A_100 = tpu.matmul %get3A_95, %get3A_98, %dot_general3A_99 {dimension_numbers = #tpu.dot_dimension_numbers<[1], [0], [0], [1], [0, 0, 1, 1], [], []>, precision = #tpu.contract_precision<fp32>, transpose_lhs_hint = false} : vector<1024x13xf32>, vector<13x512xf32>, vector<1024x512xf32> -> vector<1024x512xf32>
    %add3A = arith.addf %dot_general3A_92, %dot_general3A_100 : vector<1024x512xf32>
    %get3A_101 = arith.constant 0 : index
    %get3A_102 = arith.constant 0 : index
    %get3A_103 = vector.load %arg5[%get3A_101, %get3A_102] : memref<1x512xf32, #tpu.memory_space<vmem>>, vector<1x512xf32>
    %add3A_104 = vector.broadcast %get3A_103 : vector<1x512xf32> to vector<1024x512xf32>
    %add3A_105 = arith.addf %add3A, %add3A_104 : vector<1024x512xf32>
    %max3A = arith.constant 0.000000e+00 : f32
    %max3A_106 = vector.broadcast %max3A : f32 to vector<1024x512xf32>
    %max3A_107 = arith.maximumf %add3A_105, %max3A_106 : vector<1024x512xf32>
    %get3A_108 = arith.constant 0 : index
    %get3A_109 = arith.constant 0 : index
    %get3A_110 = vector.load %arg6[%get3A_108, %get3A_109] : memref<512x256xf32, #tpu.memory_space<vmem>>, vector<512x256xf32>
    %dot_general3A_111 = arith.constant dense<0.000000e+00> : vector<1024x256xf32>
    %dot_general3A_112 = tpu.matmul %max3A_107, %get3A_110, %dot_general3A_111 {dimension_numbers = #tpu.dot_dimension_numbers<[1], [0], [0], [1], [0, 0, 1, 1], [], []>, precision = #tpu.contract_precision<fp32>, transpose_lhs_hint = false} : vector<1024x512xf32>, vector<512x256xf32>, vector<1024x256xf32> -> vector<1024x256xf32>
    %get3A_113 = arith.constant 0 : index
    %get3A_114 = arith.constant 0 : index
    %get3A_115 = vector.load %arg7[%get3A_113, %get3A_114] : memref<1x256xf32, #tpu.memory_space<vmem>>, vector<1x256xf32>
    %add3A_116 = vector.broadcast %get3A_115 : vector<1x256xf32> to vector<1024x256xf32>
    %add3A_117 = arith.addf %dot_general3A_112, %add3A_116 : vector<1024x256xf32>
    %max3A_118 = arith.constant 0.000000e+00 : f32
    %max3A_119 = vector.broadcast %max3A_118 : f32 to vector<1024x256xf32>
    %max3A_120 = arith.maximumf %add3A_117, %max3A_119 : vector<1024x256xf32>
    %get3A_121 = arith.constant 0 : index
    %get3A_122 = arith.constant 0 : index
    %get3A_123 = vector.load %arg8[%get3A_121, %get3A_122] : memref<256x32xf32, #tpu.memory_space<vmem>>, vector<256x32xf32>
    %dot_general3A_124 = arith.constant dense<0.000000e+00> : vector<1024x32xf32>
    %dot_general3A_125 = tpu.matmul %max3A_120, %get3A_123, %dot_general3A_124 {dimension_numbers = #tpu.dot_dimension_numbers<[1], [0], [0], [1], [0, 0, 1, 1], [], []>, precision = #tpu.contract_precision<fp32>, transpose_lhs_hint = false} : vector<1024x256xf32>, vector<256x32xf32>, vector<1024x32xf32> -> vector<1024x32xf32>
    %get3A_126 = arith.constant 0 : index
    %get3A_127 = arith.constant 0 : index
    %get3A_128 = vector.load %arg9[%get3A_126, %get3A_127] : memref<1x32xf32, #tpu.memory_space<vmem>>, vector<1x32xf32>
    %add3A_129 = vector.broadcast %get3A_128 : vector<1x32xf32> to vector<1024x32xf32>
    %add3A_130 = arith.addf %dot_general3A_125, %add3A_129 : vector<1024x32xf32>
    %max3A_131 = arith.constant 0.000000e+00 : f32
    %max3A_132 = vector.broadcast %max3A_131 : f32 to vector<1024x32xf32>
    %max3A_133 = arith.maximumf %add3A_130, %max3A_132 : vector<1024x32xf32>
    %get3A_134 = arith.constant 0 : index
    %get3A_135 = arith.constant 0 : index
    %get3A_136 = vector.load %arg10[%get3A_134, %get3A_135] : memref<32x1xf32, #tpu.memory_space<vmem>>, vector<32x1xf32>
    %dot_general3A_137 = arith.constant dense<0.000000e+00> : vector<1024x1xf32>
    %dot_general3A_138 = tpu.matmul %max3A_133, %get3A_136, %dot_general3A_137 {dimension_numbers = #tpu.dot_dimension_numbers<[1], [0], [0], [1], [0, 0, 1, 1], [], []>, precision = #tpu.contract_precision<fp32>, transpose_lhs_hint = false} : vector<1024x32xf32>, vector<32x1xf32>, vector<1024x1xf32> -> vector<1024x1xf32>
    %get3A_139 = arith.constant 0 : index
    %get3A_140 = arith.constant 0 : index
    %get3A_141 = vector.load %arg11[%get3A_139, %get3A_140] : memref<1x1xf32, #tpu.memory_space<vmem>>, vector<1x1xf32>
    %add3A_142 = vector.broadcast %get3A_141 : vector<1x1xf32> to vector<1024x1xf32>
    %add3A_143 = arith.addf %dot_general3A_138, %add3A_142 : vector<1024x1xf32>
    %swap3A = arith.constant 0 : index
    %swap3A_144 = arith.constant 0 : index
    %swap3A_145 = vector.load %arg12[%swap3A, %swap3A_144] : memref<1024x1xf32, #tpu.memory_space<vmem>>, vector<1024x1xf32>
    tpu.vector_store %arg12[%swap3A, %swap3A_144], %add3A_143 {strides = array<i32>} : memref<1024x1xf32, #tpu.memory_space<vmem>>, vector<1024x1xf32>,
    return
  }
  func.func @transform_0(%arg0: i32) -> (i32, i32, i32, i32) {
    %c0_i32 = arith.constant 0 : i32
    %c0_i32_0 = arith.constant 0 : i32
    %c0_i32_1 = arith.constant 0 : i32
    %c0_i32_2 = arith.constant 0 : i32
    return %arg0, %c0_i32, %c0_i32_0, %c0_i32_1 : i32, i32, i32, i32
  }
  func.func @transform_1(%arg0: i32) -> (i32, i32) {
    %c0_i32 = arith.constant 0 : i32
    %c0_i32_0 = arith.constant 0 : i32
    return %arg0, %c0_i32 : i32, i32
  }
  func.func @transform_2(%arg0: i32) -> (i32, i32) {
    %c0_i32 = arith.constant 0 : i32
    %c0_i32_0 = arith.constant 0 : i32
    %c0_i32_1 = arith.constant 0 : i32
    return %c0_i32, %c0_i32_0 : i32, i32
  }
  func.func @transform_3(%arg0: i32) -> (i32, i32) {
    %c0_i32 = arith.constant 0 : i32
    %c0_i32_0 = arith.constant 0 : i32
    %c0_i32_1 = arith.constant 0 : i32
    return %c0_i32, %c0_i32_0 : i32, i32
  }
  func.func @transform_4(%arg0: i32) -> (i32, i32) {
    %c0_i32 = arith.constant 0 : i32
    %c0_i32_0 = arith.constant 0 : i32
    %c0_i32_1 = arith.constant 0 : i32
    return %c0_i32, %c0_i32_0 : i32, i32
  }
  func.func @transform_5(%arg0: i32) -> (i32, i32) {
    %c0_i32 = arith.constant 0 : i32
    %c0_i32_0 = arith.constant 0 : i32
    %c0_i32_1 = arith.constant 0 : i32
    return %c0_i32, %c0_i32_0 : i32, i32
  }
  func.func @transform_6(%arg0: i32) -> (i32, i32) {
    %c0_i32 = arith.constant 0 : i32
    %c0_i32_0 = arith.constant 0 : i32
    %c0_i32_1 = arith.constant 0 : i32
    return %c0_i32, %c0_i32_0 : i32, i32
  }
  func.func @transform_7(%arg0: i32) -> (i32, i32) {
    %c0_i32 = arith.constant 0 : i32
    %c0_i32_0 = arith.constant 0 : i32
    %c0_i32_1 = arith.constant 0 : i32
    return %c0_i32, %c0_i32_0 : i32, i32
  }
  func.func @transform_8(%arg0: i32) -> (i32, i32) {
    %c0_i32 = arith.constant 0 : i32
    %c0_i32_0 = arith.constant 0 : i32
    %c0_i32_1 = arith.constant 0 : i32
    return %c0_i32, %c0_i32_0 : i32, i32
  }
  func.func @transform_9(%arg0: i32) -> (i32, i32) {
    %c0_i32 = arith.constant 0 : i32
    %c0_i32_0 = arith.constant 0 : i32
    %c0_i32_1 = arith.constant 0 : i32
    return %c0_i32, %c0_i32_0 : i32, i32
  }
  func.func @transform_10(%arg0: i32) -> (i32, i32) {
    %c0_i32 = arith.constant 0 : i32
    %c0_i32_0 = arith.constant 0 : i32
    %c0_i32_1 = arith.constant 0 : i32
    return %c0_i32, %c0_i32_0 : i32, i32
  }
  func.func @transform_11(%arg0: i32) -> (i32, i32) {
    %c0_i32 = arith.constant 0 : i32
    %c0_i32_0 = arith.constant 0 : i32
    return %arg0, %c0_i32 : i32, i32
  }
}

</mosaic_0001>

<sc_bundles>
// kernel: kernel.4.cloned.1.call-start
scs
__scs_entry_jumppad:
0x0: {  	(pc) =	sbr.rel $0x88, $3  }
0x1: {  	(tag) =	ssettag $0x0;
	lr =	simm.s32 $0x1  }
0x2: {  	[smem:$0x3F96] =	sst lr;
	_ =	strace $0xD0000000  }
0x3: {  	_ = 	snop  }
0x4: {  	_ = 	snop  }
0x5: {  	_ = 	snop  }
0x6: {  	_ = 	snop  }
0x7: {  	_ = 	snop  }
__scs_overlays_trampoline_lowered:
0x8: {  	[smem:$0x3FA5] =	sst s0  }
0x9: {  	[smem:$0x3FA6] =	sst s1  }
0xa: {  	[smem:$0x3FA7] =	sst s2  }
0xb: {  	[smem:$0x3FA8] =	sst s3  }
0xc: {  	[smem:$0x3FA9] =	sst s4  }
0xd: {  	[smem:$0x3FAA] =	sst s5  }
0xe: {  	[smem:$0x3FAB] =	sst s6  }
0xf: {  	[smem:$0x3FAC] =	sst s7  }
0x10: {  	[smem:$0x3FAD] =	sst s8  }
0x11: {  	[smem:$0x3FAE] =	sst s9;
	s0 =	simm.s32 @!p0 $0x0  }
0x12: {  	s1 =	sld [smem:$0x3F94];
	s0 =	simm.s32 @p0 $0x1  }
0x13: {  	[smem:$0x3FAF] =	sst s0;
	s0 =	simm.s32 @!p1 $0x0  }
0x14: {  	s2 =	sld [smem:$0x3F93];
	s0 =	simm.s32 @p1 $0x1  }
0x15: {  	[smem:$0x3FB0] =	sst s0;
	s0 =	simm.s32 @!p2 $0x0  }
0x16: {  	s3 =	sld [smem:$0x3FDB];
	s0 =	simm.s32 @p2 $0x1  }
0x17: {  	s4 =	simm.s32 $0x1BF5;
	[smem:$0x3FB2] =	sst s0  }
0x18: {  	s0 =	sld [smem:$0x3F95];
	_ =	swait.ge [sflag:s4], $0x0  }
0x19: {  	s7 =	sld [smem:$0x3F96]  }
0x1a: {  	s8 =	sadd.s32 $0xFFFFE003, lr  }
0x1b: {  	s9 =	sadd.s32 $0xFFFFFEF7, lr;
	s5 =	simm.s32 $0xFFFFFFFF;
	p2 =	slt.u32 s8, $0xFFFFF086  }
0x1c: {  	p1 =	slt.u32 s9, $0xF7A;
	s5 =	simm.s32 @!p2 $0x0  }
0x1d: {  	s5 =	simm.s32 @p1 $0x1;
	p0 =	seq.s32 s7, s2  }
0x1e: {  	s7 =	smul.u32 @!p0 $0xF7A, s2;
	p2 =	seq.s32 @!p0 s5, $0x0  }
0x1f: {  	s9 =	smul.u32 $0xF7A, s1;
	s8 =	simm.s32 @!p0 $0x1BF5;
	p2 =	por !p2, p0  }
0x20: {  	[sflag:s8] =	ssyncset.s32 @!p0 $0xFFFFF086;
	s6 =	sadd.s32 @!p0 s3, s7;
	s7 =	simm.s32 @!p0 $0x108  }
0x21: {  	s3 =	sadd.s32 s3, s9;
	s6 =	sadd.s32 @!p0 $0x88, s6;
	s7 =	simm.s32 @p2 $0x1082  }
0x22: {  	[simem:s7], [sflag:s8] =	dma.local @!p0 [hbm:s6], $0xF7A  }
0x23: {  	s9 =	sor.u32 $0xD0000000, s2;
	s6 =	simm.s32 $0x108;
	_ =	swait.ge @!p0 [sflag:s8], $0x0  }
0x24: {  	s3 =	sadd.s32 $0x88, s3;
	s6 =	simm.s32 @!p1 $0x1082;
	[sflag:s4] =	ssyncset.s32 $0xFFFFF086  }
0x25: {  	[simem:s6], [sflag:s4] =	dma.local [hbm:s3], $0xF7A  }
0x26: {  	[smem:$0x3F96] =	sst s1;
	(tag) =	ssettag s2;
	_ =	strace s9  }
0x27: {  	s1 =	sld [smem:$0x3FA6]  }
0x28: {  	s2 =	sld [smem:$0x3FA7]  }
0x29: {  	s4 =	sld [smem:$0x3FA9]  }
0x2a: {  	p0 =	seq.s32 s5, $0x0;
	s5 =	sld [smem:$0x3FAA]  }
0x2b: {  	s6 =	sld [smem:$0x3FAB]  }
0x2c: {  	s7 =	sld [smem:$0x3FAC]  }
0x2d: {  	s3 =	simm.s32 $0x108;
	s8 =	sld [smem:$0x3FAD]  }
0x2e: {  	s3 =	simm.s32 @!p0 $0x1082;
	s9 =	sld [smem:$0x3FAE]  }
0x2f: {  	lr =	sadd.s32 s0, s3;
	s0 =	sld [smem:$0x3FA5]  }
0x30: {  	s3 =	sld [smem:$0x3FA8]  }
0x31: {  	[smem:$0x3FB1] =	sst s10  }
0x32: {  	s10 =	sld [smem:$0x3FAF];
	_ =	sdelay $0x3  }
0x33: {  	p0 =	seq.s32 s10, $0x1;
	s10 =	sld [smem:$0x3FB1];
	_ =	sdelay $0x3  }
0x34: {  	[smem:$0x3FB1] =	sst s10  }
0x35: {  	s10 =	sld [smem:$0x3FB0];
	_ =	sdelay $0x3  }
0x36: {  	p1 =	seq.s32 s10, $0x1;
	s10 =	sld [smem:$0x3FB1];
	_ =	sdelay $0x3  }
0x37: {  	[smem:$0x3FB1] =	sst s10  }
0x38: {  	s10 =	sld [smem:$0x3FB2]  }
0x39: {  	_ = 	snop;
	(pc) =	sbr.ind lr, $3  }
0x3a: {  	_ = 	snop  }
0x3b: {  	_ = 	snop  }
0x3c: {  	p2 =	seq.s32 s10, $0x1;
	s10 =	sld [smem:$0x3FB1]  }
0x3d: {  	_ =	shalt  }
0x3e: {  	_ =	shalt  }
0x3f: {  	_ =	shalt  }
0x40: {  	_ =	shalt  }
0x41: {  	_ =	shalt  }
0x42: {  	_ =	shalt  }
0x43: {  	_ =	shalt  }
0x44: {  	_ =	shalt  }
0x45: {  	_ =	shalt  }
0x46: {  	_ =	shalt  }
0x47: {  	_ =	shalt  }
0x48: {  	_ =	shalt  }
0x49: {  	_ =	shalt  }
0x4a: {  	_ =	shalt  }
0x4b: {  	_ =	shalt  }
0x4c: {  	_ =	shalt  }
0x4d: {  	_ =	shalt  }
0x4e: {  	_ =	shalt  }
0x4f: {  	_ =	shalt  }
0x50: {  	_ =	shalt  }
0x51: {  	_ =	shalt  }
0x52: {  	_ =	shalt  }
0x53: {  	_ =	shalt  }
0x54: {  	_ =	shalt  }
0x55: {  	_ =	shalt  }
0x56: {  	_ =	shalt  }
0x57: {  	_ =	shalt  }
0x58: {  	_ =	shalt  }
0x59: {  	_ =	shalt  }
0x5a: {  	_ =	shalt  }
0x5b: {  	_ =	shalt  }
0x5c: {  	_ =	shalt  }
0x5d: {  	_ =	shalt  }
0x5e: {  	_ =	shalt  }
0x5f: {  	_ =	shalt  }
0x60: {  	_ =	shalt  }
0x61: {  	_ =	shalt  }
0x62: {  	_ =	shalt  }
0x63: {  	_ =	shalt  }
0x64: {  	_ =	shalt  }
0x65: {  	_ =	shalt  }
0x66: {  	_ =	shalt  }
0x67: {  	_ =	shalt  }
0x68: {  	_ =	shalt  }
0x69: {  	_ =	shalt  }
0x6a: {  	_ =	shalt  }
0x6b: {  	_ =	shalt  }
0x6c: {  	_ =	shalt  }
0x6d: {  	_ =	shalt  }
0x6e: {  	_ =	shalt  }
0x6f: {  	_ =	shalt  }
0x70: {  	_ =	shalt  }
0x71: {  	_ =	shalt  }
0x72: {  	_ =	shalt  }
0x73: {  	_ =	shalt  }
0x74: {  	_ =	shalt  }
0x75: {  	_ =	shalt  }
0x76: {  	_ =	shalt  }
0x77: {  	_ =	shalt  }
0x78: {  	_ =	shalt  }
0x79: {  	_ =	shalt  }
0x7a: {  	_ =	shalt  }
0x7b: {  	_ =	shalt  }
0x7c: {  	_ =	shalt  }
0x7d: {  	_ =	shalt  }
0x7e: {  	_ =	shalt  }
0x7f: {  	_ =	shalt  }
0x80: {  	_ =	shalt  }
0x81: {  	_ =	shalt  }
0x82: {  	_ =	shalt  }
0x83: {  	_ =	shalt  }
0x84: {  	_ =	shalt  }
0x85: {  	_ =	shalt  }
0x86: {  	_ =	shalt  }
0x87: {  	_ =	shalt  }
.Lfunc_end0:
.L_simem_size_0:
called_computation_lowered:
.L_overlay_start_0:
0x88: {  	s2 =	sld [smem:$0x3FD9]  }
0x89: {  	s3 =	sld [smem:$0x3FFE];
	_ =	sdelay $0x1  }
0x8a: {  	s1 =	srdreg.scid  }
0x8b: {  	s0 =	sand.u32 $0x1, s1  }
0x8c: {  	s16 =	sshll.u32 s0, $0xA;
	s2 =	sadd.s32 s3, s2  }
0x8d: {  	s2 =	sadd.s32 s2, s16  }
0x8e: {  	[smem:$0x3FBD] =	sst s2  }
0x8f: {  	_ = 	snop  }
0x90: {  	(tm) =	ssettm $0x1  }
0x91: {  	s17 =	sld [smem:$0x3FFB];
	_ =	sdelay $0x3  }
0x92: {  	_ =	strace s17  }
0x93: {  	s2 =	sld [smem:$0x3FFC];
	_ =	sdelay $0x3  }
0x94: {  	_ =	strace s2  }
0x95: {  	s2 =	sld [smem:$0x3FFD];
	_ =	sdelay $0x3  }
0x96: {  	_ =	strace s2  }
0x97: {  	_ =	strace $0x8FFFFFFF  }
0x98: {  	s18 =	sld [smem:$0x3FDB];
	_ =	sdelay $0x1  }
0x99: {  	s19 =	simm.s32 $_scs_section_size  }
0x9a: {  	s4 =	simm.s32 $_size__tile_overlayer_lowered;
	s5 =	simm.s32 $_tile_overlayer_lowered  }
0x9b: {  	s22 =	simm.s32 $0x1BFF;
	s21 =	sshll.u32 s5, $0x1;
	s2 =	sadd.s32 s19, s18  }
0x9c: {  	s6 =	simm.s32 $0x0;
	s20 =	sshll.u32 s4, $0x1;
	s4 =	sadd.s32 s21, s2  }
0x9d: {  	[timem:s6], [sflag:s22] =	dma.local [hbm:s4], s20  }
0x9e: {  	_ =	swait.ge [sflag:s22], s20  }
0x9f: {  	s3 =	ssub.s32 $0x0, s20;
	[sflag:s22] =	ssyncset.done $0x0  }
0xa0: {  	[sflag:s22] =	ssyncadd.s32 s3;
	_ =	sdelay $0x1  }
0xa1: {  	s23 =	simm.s32 $0x1B8B  }
0xa2: {  	_ =	swait.ge [sflag:s23], $0x1  }
0xa3: {  	[sflag:s23] =	ssyncset.done $0x0  }
0xa4: {  	s25 =	simm.s32 $0x1B8E;
	s24 =	sld [smem:$0x3FFE];
	[sflag:s23] =	ssyncadd.s32 $0xFFFFFFFF  }
0xa5: {  	s26 =	simm.s32 $execute0_lowered;
	[smem:$0x3FD2] =	sst s25  }
0xa6: {  	s4 =	sshll.u32 s26, $0x1;
	_ =	strace $0x80000046;
	[dreg:$0x1] =	wrdreg $0xFFFFFFFF  }
0xa7: {  	s28 =	simm.s32 $_size_execute0_lowered;
	s2 =	sadd.s32 s2, s4;
	[dreg:$0x0] =	wrdreg $0x0  }
0xa8: {  	s4 =	sshll.u32 s28, $0x1;
	[dreg:$0x2] =	wrdreg s2  }
0xa9: {  	[dreg:$0x3] =	wrdreg s4  }
0xaa: {  	[dreg:$0x4] =	wrdreg $0xC0  }
0xab: {  	_ =	task [dreg:s6], $0x5FFFF  }
0xac: {  	[dreg:$0x1] =	wrdreg $0xFFFFFFFF  }
0xad: {  	[dreg:$0x0] =	wrdreg $0x60  }
0xae: {  	[dreg:$0x2] =	wrdreg s24  }
0xaf: {  	[dreg:$0x3] =	wrdreg $0x9  }
0xb0: {  	_ =	task.clear_ibuf [dreg:s6], $0x4FFFF;
	_ =	strace $0x90000046  }
0xb1: {  	s29 =	simm.s32 $0x9;
	_ =	strace $0x80000048  }
0xb2: {  	_ =	swait.ge [sflag:s29], $0x1  }
0xb3: {  	[sflag:s29] =	ssyncadd.s32 $0xFFFFFFFF  }
0xb4: {  	_ =	strace $0x90000048  }
0xb5: {  	_ =	sfence  }
0xb6: {  	s30 =	sld [smem:$0x0];
	_ =	sdelay $0x2  }
0xb7: {  	s31 =	sshll.u32 s1, $0xD;
	s1 =	sshrl.u32 s1, $0x2  }
0xb8: {  	s3 =	sand.u32 $0x4000, s31;
	s1 =	sadd.s32 s1, s30  }
0xb9: {  	s0 =	sor.u32 s3, s0;
	s1 =	sshll.u32 s1, $0x11  }
0xba: {  	s0 =	sor.u32 s1, s0  }
0xbb: {  	s0 =	sadd.s32 $0x8F2B, s0  }
0xbc: {  	[sflag:s0] =	ssyncadd.remote.s32 $0x1  }
0xbd: {  	_ =	sfence.sel $0xFFFF  }
0xbe: {  	[dreg:$0x0] =	wrdreg $0xFFFFFFFF;
	(pc) =	sbr.abs _section_cstart, $3  }
0xbf: {  	[dreg:$0x1] =	wrdreg $0xFFFFFFFF  }
0xc0: {  	_ =	task.clear_ibuf [dreg:s6], $0x2FFFF;
	_ =	strace $0x9FFFFFFF  }
0xc1: {  	(tm) =	ssettm $0x7FFFFFFF  }
tec
execute0_lowered:
.L_overlay_start_1:
0x0: {  	(tag) =	ssettag $0x1  }
0x1: {  	s1 =	srdreg.scid  }
0x2: {  	s0 =	stileid.u32;
	s4 =	rddreg [dreg:$0x0];
	s2 =	simm.s32 $0x0  }
0x3: {  	s9 =	simm.s32 $0x3;
	s10 =	simm.s32 $0x3400;
	s11 =	simm.s32 $0x80  }
0x4: {  	s12 =	simm.s32 $0x6800;
	s13 =	simm.s32 $0xCC00;
	s14 =	simm.s32 $0x1  }
0x5: {  	s15 =	simm.s32 $0x13000;
	s16 =	simm.s32 $0x2;
	s17 =	simm.s32 $0x15000  }
0x6: {  	s5 =	sand.u32 $0x1, s1;
	s3 =	sshll.u32 s0, $0x1;
	s1 =	rddreg [dreg:$0x1]  }
0x7: {  	v0 =	vlaneseq.u32;
	s18 =	simm.s32 $0x0;
	[smem:$0x7FF] =	sst s2;
	s7 =	sor.u32 s5, s3  }
0x8: {  	v1 =	vand.u32 $0x1, v0;
	_ =	strace $0x80000047;
	s5 =	ssub.s32 $0x2, s5;
	s6 =	smul.u32 $0x680, s7  }
0x9: {  	s3 =	sadd.s32 $0x27AE200, s4;
	v1 =	vmul.u32 $0x40, v1;
	s8 =	sshrl.u32 s5, $0x1;
	s7 =	smul.u32 $0xD0000, s7  }
0xa: {  	v6 =	vimm.f32 $0.0e+00;
	v3 =	vshrl.u32 v0, $0x1;
	v2 =	vand.u32 $0x7, v0;
	s8 =	ssub.s32 s5, s8;
	s6 =	sadd.s32 s6, s4;
	s4 =	sadd.s32 $0x1BE00, s4  }
0xb: {  	v3 =	vmul.u32 $0x80, v3;
	v4 =	vor.u32 $0x30, v1;
	v5 =	vor.u32 $0x31, v1;
	s8 =	smax.u32 s8, $0x1;
	s5 =	sadd.s32 $0xEE00, s6;
	s6 =	sadd.s32 $0x1E00, s6  }
.LBB2_1:
0xc: {  	[tilespmem:s2], [sflag:$0x3] =	stream.linear.gather [hbm4b:s5+s2], $0x3400, $0x38;
	[tilespmem:$0x17000] =	vst v63  }
0xd: {  	_ =	swait.ge [sflag:s9], $0x3400  }
0xe: {  	[sflag:s9] =	ssyncset.done $0x0  }
0xf: {  	[sflag:s9] =	ssyncadd.s32 $0xFFFFCC00  }
0x10: {  	[tilespmem:s10], [sflag:$0x3] =	stream.linear.gather [hbm4b:s6+s2], $0x3400, $0x38;
	[tilespmem:$0x17000] =	vst v63  }
0x11: {  	_ =	swait.ge [sflag:s9], $0x3400  }
0x12: {  	[sflag:s9] =	ssyncset.done $0x0  }
0x13: {  	s19 =	simm.s32 $0x0;
	[sflag:s9] =	ssyncadd.s32 $0xFFFFCC00  }
0x14: {  	[tilespmem:s12], [sflag:$0x1] =	stream.indirect.gather [hbm4b:s3+s11], $0xC8, s2, s11, $0xb8;
	[tilespmem:$0x17000] =	vst v63  }
.LBB2_2:
0x15: {  	s20 =	sshllo.u32 s19, $0x1  }
0x16: {  	s21 =	sshll.u32 s20, $0x7  }
0x17: {  	s22 =	sand.u32 $0x3FFFFF80, s21  }
0x18: {  	[tilespmem:s13], [sflag:$0x2] =	stream.indirect.gather [hbm4b:s3+s11], $0xC8, s22, s11, $0xb8;
	[tilespmem:$0x17000] =	vst v63  }
0x19: {  	_ =	swait.ge [sflag:s14], $0x6400  }
0x1a: {  	s31 =	sshll.u32 s19, $0x8;
	[sflag:s14] =	ssyncset.done $0x0  }
0x1b: {  	s23 =	simm.s32 $0x0;
	v7 =	vor.u32 s31, v2;
	s22 =	simm.s32 $0x0;
	[sflag:s14] =	ssyncadd.s32 $0xFFFF9C00  }
.LBB2_3:
0x1c: {  	s24 =	sshll.u32 s23, $0x4  }
0x1d: {  	v8 =	vor.u32 s24, v0  }
0x1e: {  	v9 =	vand.u32 $0x78, v8  }
0x1f: {  	v9 =	vor.u32 v9, v7;
	_ =	sdelay $0x4  }
0x20: {  	v11 =	vld.idx.msk [tilespmem:v9+s10+$0x0], $0xffff;
	_ =	sdelay $0x3  }
0x21: {  	v10 =	vmul.u32 $0xC8, v8  }
0x22: {  	v12 =	vand.u32 $0x7, v11;
	v8 =	vadd.s32 s22, v11  }
0x23: {  	v13 =	vor.u32 v12, v10;
	v8 =	vand.u32 $0xFFFFFFF8, v8  }
0x24: {  	s25 =	sshll.u32 s23, $0x3;
	v14 =	vadd.s32 v13, v8  }
0x25: {  	v8 =	vmov s25  }
0x26: {  	s26 =	simm.s32 $0x1;
	v8 =	vshll.u32 v8, $0x7  }
0x27: {  	v15 =	vadd.s32 s26, v11;
	v8 =	vor.u32 v3, v8  }
0x28: {  	v16 =	vand.u32 $0xFFFFFFF8, v15;
	v9 =	vor.u32 v1, v8  }
0x29: {  	v18 =	vor.u32 s22, v9;
	v17 =	vld.idx.msk [tilespmem:v14+s12+$0x0], $0xffff;
	v14 =	vand.u32 $0x7, v15;
	v15 =	vadd.s32 v10, v16  }
0x2a: {  	v15 =	vor.u32 v14, v15;
	_ =	sdelay $0x1  }
0x2b: {  	s25 =	simm.s32 $0x2  }
0x2c: {  	v19 =	vadd.s32 s25, v11;
	v16 =	vor.u32 s26, v1  }
0x2d: {  	v14 =	vor.u32 $0x1, v8;
	v16 =	vand.u32 $0x78, v16;
	[tilespmem:v18+s15+$0x0] =	vst.idx.msk $0xffff, v17;
	v17 =	vand.u32 $0xFFFFFFF8, v19  }
0x2e: {  	v16 =	vor.u32 v16, v14;
	v18 =	vld.idx.msk [tilespmem:v15+s12+$0x0], $0xffff;
	v15 =	vand.u32 $0x7, v19;
	v17 =	vadd.s32 v10, v17  }
0x2f: {  	v17 =	vor.u32 v15, v17;
	_ =	sdelay $0x1  }
0x30: {  	s28 =	simm.s32 $0x3  }
0x31: {  	v20 =	vadd.s32 s28, v11;
	v19 =	vor.u32 s25, v1  }
0x32: {  	v15 =	vor.u32 $0x2, v8;
	[tilespmem:v16+s15+$0x0] =	vst.idx.msk $0xffff, v18;
	v16 =	vand.u32 $0x78, v19;
	v18 =	vand.u32 $0xFFFFFFF8, v20  }
0x33: {  	v17 =	vld.idx.msk [tilespmem:v17+s12+$0x0], $0xffff;
	v19 =	vor.u32 v16, v15;
	v16 =	vand.u32 $0x7, v20;
	v18 =	vadd.s32 v10, v18  }
0x34: {  	v18 =	vor.u32 v16, v18;
	_ =	sdelay $0x1  }
0x35: {  	s29 =	simm.s32 $0x4  }
0x36: {  	v21 =	vadd.s32 s29, v11;
	v20 =	vor.u32 s28, v1  }
0x37: {  	v16 =	vor.u32 $0x3, v8;
	[tilespmem:v19+s15+$0x0] =	vst.idx.msk $0xffff, v17;
	v17 =	vand.u32 $0x78, v20;
	v19 =	vand.u32 $0xFFFFFFF8, v21  }
0x38: {  	v18 =	vld.idx.msk [tilespmem:v18+s12+$0x0], $0xffff;
	v20 =	vor.u32 v17, v16;
	v17 =	vand.u32 $0x7, v21;
	v19 =	vadd.s32 v10, v19  }
0x39: {  	v19 =	vor.u32 v17, v19;
	_ =	sdelay $0x1  }
0x3a: {  	s30 =	simm.s32 $0x5  }
0x3b: {  	v22 =	vadd.s32 s30, v11;
	v21 =	vor.u32 s29, v1  }
0x3c: {  	v17 =	vor.u32 $0x4, v8;
	[tilespmem:v20+s15+$0x0] =	vst.idx.msk $0xffff, v18;
	v18 =	vand.u32 $0x78, v21;
	v20 =	vand.u32 $0xFFFFFFF8, v22  }
0x3d: {  	v19 =	vld.idx.msk [tilespmem:v19+s12+$0x0], $0xffff;
	v21 =	vor.u32 v18, v17;
	v18 =	vand.u32 $0x7, v22;
	v20 =	vadd.s32 v10, v20  }
0x3e: {  	v20 =	vor.u32 v18, v20;
	_ =	sdelay $0x1  }
0x3f: {  	s31 =	simm.s32 $0x6  }
0x40: {  	v23 =	vadd.s32 s31, v11;
	v22 =	vor.u32 s30, v1  }
0x41: {  	v18 =	vor.u32 $0x5, v8;
	[tilespmem:v21+s15+$0x0] =	vst.idx.msk $0xffff, v19;
	v19 =	vand.u32 $0x78, v22;
	v21 =	vand.u32 $0xFFFFFFF8, v23  }
0x42: {  	v20 =	vld.idx.msk [tilespmem:v20+s12+$0x0], $0xffff;
	v22 =	vor.u32 v19, v18;
	v19 =	vand.u32 $0x7, v23;
	v21 =	vadd.s32 v10, v21  }
0x43: {  	v21 =	vor.u32 v19, v21;
	_ =	sdelay $0x1  }
0x44: {  	s26 =	simm.s32 $0x7  }
0x45: {  	v24 =	vadd.s32 s26, v11;
	v23 =	vor.u32 s31, v1  }
0x46: {  	v19 =	vor.u32 $0x6, v8;
	[tilespmem:v22+s15+$0x0] =	vst.idx.msk $0xffff, v20;
	v20 =	vand.u32 $0x78, v23;
	v22 =	vand.u32 $0xFFFFFFF8, v24  }
0x47: {  	v23 =	vand.u32 $0x7, v24;
	v21 =	vld.idx.msk [tilespmem:v21+s12+$0x0], $0xffff;
	v20 =	vor.u32 v20, v19;
	v22 =	vadd.s32 v10, v22  }
0x48: {  	v23 =	vor.u32 v23, v22;
	_ =	sdelay $0x3  }
0x49: {  	s24 =	simm.s32 $0x8;
	v63 =	vor.u32 s26, v1;
	[tilespmem:v20+s15+$0x0] =	vst.idx.msk $0xffff, v21  }
0x4a: {  	s25 =	simm.s32 $0x10;
	v22 =	vadd.s32 s24, v11;
	v20 =	vor.u32 $0x7, v8;
	v21 =	vld.idx.msk [tilespmem:v23+s12+$0x0], $0xffff;
	v23 =	vand.u32 $0x78, v63  }
.LBB2_4:
0x4b: {  	p0 =	slt.u32 s25, $0x28;
	v22 =	vand.u32 $0xFFFFFFF8, v22;
	v23 =	vor.u32 v23, v20  }
0x4c: {  	v22 =	vadd.s32 v13, v22;
	_ =	sdelay $0x2  }
0x4d: {  	s26 =	sadd.s32 $0x1, s24  }
0x4e: {  	v24 =	vadd.s32 s26, v11;
	[tilespmem:v23+s15+$0x0] =	vst.idx.msk $0xffff, v21  }
0x4f: {  	v21 =	vld.idx.msk [tilespmem:v22+s12+$0x0], $0xffff;
	v22 =	vand.u32 $0xFFFFFFF8, v24  }
0x50: {  	v23 =	vor.u32 s24, v9;
	v24 =	vand.u32 $0x7, v24;
	v22 =	vadd.s32 v10, v22  }
0x51: {  	v22 =	vor.u32 v24, v22;
	_ =	sdelay $0x2  }
0x52: {  	s28 =	sadd.s32 $0x2, s24  }
0x53: {  	[tilespmem:v23+s15+$0x0] =	vst.idx.msk $0xffff, v21;
	v21 =	vor.u32 s26, v1;
	v23 =	vadd.s32 s28, v11  }
0x54: {  	v22 =	vld.idx.msk [tilespmem:v22+s12+$0x0], $0xffff;
	v21 =	vand.u32 $0x78, v21;
	v24 =	vand.u32 $0xFFFFFFF8, v23  }
0x55: {  	v23 =	vand.u32 $0x7, v23;
	v21 =	vor.u32 v21, v14;
	v24 =	vadd.s32 v10, v24  }
0x56: {  	v23 =	vor.u32 v23, v24;
	_ =	sdelay $0x2  }
0x57: {  	s26 =	sadd.s32 $0x3, s24  }
0x58: {  	[tilespmem:v21+s15+$0x0] =	vst.idx.msk $0xffff, v22;
	v21 =	vor.u32 s28, v1;
	v22 =	vadd.s32 s26, v11  }
0x59: {  	v23 =	vld.idx.msk [tilespmem:v23+s12+$0x0], $0xffff;
	v21 =	vand.u32 $0x78, v21;
	v24 =	vand.u32 $0xFFFFFFF8, v22  }
0x5a: {  	v22 =	vand.u32 $0x7, v22;
	v21 =	vor.u32 v21, v15;
	v24 =	vadd.s32 v10, v24  }
0x5b: {  	v22 =	vor.u32 v22, v24;
	_ =	sdelay $0x2  }
0x5c: {  	s28 =	sadd.s32 $0x4, s24  }
0x5d: {  	[tilespmem:v21+s15+$0x0] =	vst.idx.msk $0xffff, v23;
	v21 =	vor.u32 s26, v1;
	v23 =	vadd.s32 s28, v11  }
0x5e: {  	v22 =	vld.idx.msk [tilespmem:v22+s12+$0x0], $0xffff;
	v21 =	vand.u32 $0x78, v21;
	v24 =	vand.u32 $0xFFFFFFF8, v23  }
0x5f: {  	v23 =	vand.u32 $0x7, v23;
	v21 =	vor.u32 v21, v16;
	v24 =	vadd.s32 v10, v24  }
0x60: {  	v23 =	vor.u32 v23, v24;
	_ =	sdelay $0x2  }
0x61: {  	s26 =	sadd.s32 $0x5, s24  }
0x62: {  	[tilespmem:v21+s15+$0x0] =	vst.idx.msk $0xffff, v22;
	v21 =	vor.u32 s28, v1;
	v22 =	vadd.s32 s26, v11  }
0x63: {  	v23 =	vld.idx.msk [tilespmem:v23+s12+$0x0], $0xffff;
	v21 =	vand.u32 $0x78, v21;
	v24 =	vand.u32 $0xFFFFFFF8, v22  }
0x64: {  	v22 =	vand.u32 $0x7, v22;
	v21 =	vor.u32 v21, v17;
	v24 =	vadd.s32 v10, v24  }
0x65: {  	v22 =	vor.u32 v22, v24;
	_ =	sdelay $0x2  }
0x66: {  	s28 =	sadd.s32 $0x6, s24  }
0x67: {  	[tilespmem:v21+s15+$0x0] =	vst.idx.msk $0xffff, v23;
	v21 =	vor.u32 s26, v1;
	v23 =	vadd.s32 s28, v11  }
0x68: {  	v22 =	vld.idx.msk [tilespmem:v22+s12+$0x0], $0xffff;
	v21 =	vand.u32 $0x78, v21;
	v24 =	vand.u32 $0xFFFFFFF8, v23  }
0x69: {  	v23 =	vand.u32 $0x7, v23;
	v21 =	vor.u32 v21, v18;
	v24 =	vadd.s32 v10, v24  }
0x6a: {  	v23 =	vor.u32 v23, v24;
	_ =	sdelay $0x2  }
0x6b: {  	s26 =	sadd.s32 $0x7, s24;
	s24 =	smov.u32 s25  }
0x6c: {  	[tilespmem:v21+s15+$0x0] =	vst.idx.msk $0xffff, v22;
	v21 =	vor.u32 s28, v1;
	v22 =	vadd.s32 s26, v11  }
0x6d: {  	v23 =	vld.idx.msk [tilespmem:v23+s12+$0x0], $0xffff;
	v21 =	vand.u32 $0x78, v21;
	v24 =	vand.u32 $0xFFFFFFF8, v22  }
0x6e: {  	v22 =	vand.u32 $0x7, v22;
	v21 =	vor.u32 v21, v19;
	v24 =	vadd.s32 v10, v24  }
0x6f: {  	v24 =	vor.u32 v22, v24  }
.Ltmp0:
0x70: {  	(pc) =	sbr.rel @p0 .LBB2_4-.Ltmp0, $3  }
0x71: {  	_ =	sdelay $0x1  }
0x72: {  	[tilespmem:v21+s15+$0x0] =	vst.idx.msk $0xffff, v23;
	v23 =	vor.u32 s26, v1  }
0x73: {  	s25 =	sadd.s32 $0x8, s25;
	v22 =	vadd.s32 s24, v11;
	v21 =	vld.idx.msk [tilespmem:v24+s12+$0x0], $0xffff;
	v23 =	vand.u32 $0x78, v23  }
0x74: {  	v22 =	vand.u32 $0xFFFFFFF8, v22;
	v23 =	vor.u32 v23, v20  }
0x75: {  	v13 =	vadd.s32 v13, v22;
	_ =	sdelay $0x1  }
0x76: {  	s25 =	sadd.s32 $0x1, s24  }
0x77: {  	v26 =	vadd.s32 s25, v11  }
0x78: {  	v27 =	vand.u32 $0xFFFFFFF8, v26;
	[tilespmem:v23+s15+$0x0] =	vst.idx.msk $0xffff, v21  }
0x79: {  	v28 =	vor.u32 s24, v9;
	v22 =	vand.u32 $0x7, v26;
	v21 =	vadd.s32 v10, v27;
	v13 =	vld.idx.msk [tilespmem:v13+s12+$0x0], $0xffff  }
0x7a: {  	v21 =	vor.u32 v22, v21;
	_ =	sdelay $0x1  }
0x7b: {  	s26 =	sadd.s32 $0x2, s24  }
0x7c: {  	v29 =	vor.u32 s25, v1;
	v24 =	vadd.s32 s26, v11  }
0x7d: {  	v30 =	vand.u32 $0x78, v29;
	v31 =	vand.u32 $0xFFFFFFF8, v24;
	[tilespmem:v28+s15+$0x0] =	vst.idx.msk $0xffff, v13  }
0x7e: {  	v32 =	vand.u32 $0x7, v24;
	v22 =	vadd.s32 v10, v31;
	v13 =	vor.u32 v30, v14;
	v21 =	vld.idx.msk [tilespmem:v21+s12+$0x0], $0xffff  }
0x7f: {  	v14 =	vor.u32 v32, v22;
	_ =	sdelay $0x1  }
0x80: {  	s31 =	sadd.s32 $0x3, s24  }
0x81: {  	v33 =	vor.u32 s26, v1;
	v34 =	vadd.s32 s31, v11  }
0x82: {  	v35 =	vand.u32 $0x78, v33;
	v36 =	vand.u32 $0xFFFFFFF8, v34;
	[tilespmem:v13+s15+$0x0] =	vst.idx.msk $0xffff, v21  }
0x83: {  	v37 =	vand.u32 $0x7, v34;
	v13 =	vor.u32 v35, v15;
	v21 =	vadd.s32 v10, v36;
	v14 =	vld.idx.msk [tilespmem:v14+s12+$0x0], $0xffff  }
0x84: {  	v15 =	vor.u32 v37, v21;
	_ =	sdelay $0x1  }
0x85: {  	s28 =	sadd.s32 $0x4, s24  }
0x86: {  	v38 =	vor.u32 s31, v1;
	v39 =	vadd.s32 s28, v11  }
0x87: {  	v40 =	vand.u32 $0x78, v38;
	v41 =	vand.u32 $0xFFFFFFF8, v39;
	[tilespmem:v13+s15+$0x0] =	vst.idx.msk $0xffff, v14  }
0x88: {  	v42 =	vand.u32 $0x7, v39;
	v13 =	vor.u32 v40, v16;
	v14 =	vadd.s32 v10, v41;
	v15 =	vld.idx.msk [tilespmem:v15+s12+$0x0], $0xffff  }
0x89: {  	v14 =	vor.u32 v42, v14;
	_ =	sdelay $0x1  }
0x8a: {  	s29 =	sadd.s32 $0x5, s24  }
0x8b: {  	v43 =	vor.u32 s28, v1;
	v44 =	vadd.s32 s29, v11  }
0x8c: {  	v45 =	vand.u32 $0x78, v43;
	v46 =	vand.u32 $0xFFFFFFF8, v44;
	[tilespmem:v13+s15+$0x0] =	vst.idx.msk $0xffff, v15  }
0x8d: {  	v47 =	vand.u32 $0x7, v44;
	v13 =	vor.u32 v45, v17;
	v15 =	vadd.s32 v10, v46;
	v14 =	vld.idx.msk [tilespmem:v14+s12+$0x0], $0xffff  }
0x8e: {  	v15 =	vor.u32 v47, v15;
	_ =	sdelay $0x1  }
0x8f: {  	s30 =	sadd.s32 $0x6, s24  }
0x90: {  	v48 =	vor.u32 s29, v1;
	v49 =	vadd.s32 s30, v11  }
0x91: {  	v50 =	vand.u32 $0x78, v48;
	v51 =	vand.u32 $0xFFFFFFF8, v49;
	[tilespmem:v13+s15+$0x0] =	vst.idx.msk $0xffff, v14  }
0x92: {  	v52 =	vand.u32 $0x7, v49;
	v13 =	vor.u32 v50, v18;
	v14 =	vadd.s32 v10, v51;
	v15 =	vld.idx.msk [tilespmem:v15+s12+$0x0], $0xffff  }
0x93: {  	v14 =	vor.u32 v52, v14;
	_ =	sdelay $0x1  }
0x94: {  	s31 =	sadd.s32 $0x7, s24  }
0x95: {  	v53 =	vor.u32 s30, v1;
	v54 =	vadd.s32 s31, v11  }
0x96: {  	v55 =	vand.u32 $0x78, v53;
	v56 =	vand.u32 $0xFFFFFFF8, v54;
	[tilespmem:v13+s15+$0x0] =	vst.idx.msk $0xffff, v15  }
0x97: {  	v57 =	vand.u32 $0x7, v54;
	v13 =	vor.u32 v55, v19;
	v15 =	vadd.s32 v10, v56;
	v14 =	vld.idx.msk [tilespmem:v14+s12+$0x0], $0xffff  }
0x98: {  	v15 =	vor.u32 v57, v15;
	_ =	sdelay $0x2  }
0x99: {  	v59 =	vand.u32 $0xFFFFFFF8, v11;
	v58 =	vor.u32 s31, v1  }
0x9a: {  	v61 =	vadd.s32 v59, v10;
	v60 =	vand.u32 $0x78, v58;
	[tilespmem:v13+s15+$0x0] =	vst.idx.msk $0xffff, v14  }
0x9b: {  	v12 =	vadd.s32 v12, v61;
	v13 =	vor.u32 v60, v20;
	v15 =	vld.idx.msk [tilespmem:v15+s12+$0x0], $0xffff  }
0x9c: {  	v12 =	vadd.s32 $0x30, v12;
	_ =	sdelay $0x2  }
0x9d: {  	v11 =	vadd.s32 $0x31, v11  }
0x9e: {  	v62 =	vand.u32 $0xFFFFFFF8, v11;
	[tilespmem:v13+s15+$0x0] =	vst.idx.msk $0xffff, v15  }
0x9f: {  	v63 =	vor.u32 v4, v8;
	v11 =	vand.u32 $0x7, v11;
	v10 =	vadd.s32 v10, v62;
	v12 =	vld.idx.msk [tilespmem:v12+s12+$0x0], $0xffff  }
0xa0: {  	v10 =	vor.u32 v11, v10;
	_ =	sdelay $0x3  }
0xa1: {  	[tilespmem:v63+s15+$0x0] =	vst.idx.msk $0xffff, v12  }
0xa2: {  	v11 =	vor.u32 v5, v8;
	v10 =	vld.idx.msk [tilespmem:v10+s12+$0x0], $0xffff;
	_ =	sdelay $0x4  }
0xa3: {  	s24 =	simm.s32 $0x32;
	[tilespmem:v11+s15+$0x0] =	vst.idx.msk $0xffff, v10  }
.LBB2_6:
0xa4: {  	s25 =	sadd.s32 $0x1, s24  }
0xa5: {  	v10 =	vor.u32 s24, v9;
	s26 =	sadd.s32 $0x2, s24;
	s28 =	sadd.s32 $0x3, s24;
	v11 =	vmov s25;
	v12 =	vadd.s32 s25, v1  }
0xa6: {  	s29 =	sadd.s32 $0x4, s24;
	v13 =	vadd.s32 s26, v1;
	v14 =	vmov s26;
	v57 =	vmov s28  }
0xa7: {  	s30 =	sadd.s32 $0x5, s24;
	s31 =	sadd.s32 $0x6, s24;
	v58 =	vadd.s32 s28, v1;
	v15 =	vadd.s32 s29, v1;
	v16 =	vmov s29  }
0xa8: {  	v60 =	vmov s30;
	v61 =	vadd.s32 s30, v1;
	v17 =	vadd.s32 s31, v1  }
0xa9: {  	v18 =	vmov s31;
	v12 =	vand.u32 $0xF8, v12;
	v11 =	vand.u32 $0x7, v11  }
0xaa: {  	v13 =	vand.u32 $0xF8, v13;
	v56 =	vand.u32 $0x7, v14;
	v14 =	vand.u32 $0xF8, v58  }
0xab: {  	v15 =	vand.u32 $0xF8, v15;
	v59 =	vand.u32 $0x7, v16;
	v12 =	vadd.s32 v8, v12  }
0xac: {  	v16 =	vand.u32 $0xF8, v61;
	v13 =	vadd.s32 v8, v13;
	v11 =	vor.u32 v11, v12  }
0xad: {  	v14 =	vadd.s32 v8, v14;
	v12 =	vor.u32 v56, v13;
	v13 =	vand.u32 $0x7, v57  }
0xae: {  	v17 =	vand.u32 $0xF8, v17;
	v15 =	vadd.s32 v8, v15;
	v13 =	vor.u32 v13, v14  }
0xaf: {  	v16 =	vadd.s32 v8, v16;
	v14 =	vor.u32 v59, v15;
	v15 =	vand.u32 $0x7, v60  }
0xb0: {  	v62 =	vand.u32 $0x7, v18;
	v63 =	vadd.s32 v8, v17;
	[tilespmem:v10+s15+$0x0] =	vst.idx.msk $0xffff, v6;
	v10 =	vor.u32 v15, v16  }
0xb1: {  	p0 =	slt.u32 s24, $0x39;
	[tilespmem:v11+s15+$0x0] =	vst.idx.msk $0xffff, v6;
	v11 =	vor.u32 v62, v63  }
.Ltmp1:
0xb2: {  	[tilespmem:v12+s15+$0x0] =	vst.idx.msk $0xffff, v6;
	(pc) =	sbr.rel @p0 .LBB2_6-.Ltmp1, $4  }
0xb3: {  	[tilespmem:v13+s15+$0x0] =	vst.idx.msk $0xffff, v6  }
0xb4: {  	[tilespmem:v14+s15+$0x0] =	vst.idx.msk $0xffff, v6  }
0xb5: {  	[tilespmem:v10+s15+$0x0] =	vst.idx.msk $0xffff, v6  }
0xb6: {  	s24 =	sadd.s32 $0x7, s24;
	[tilespmem:v11+s15+$0x0] =	vst.idx.msk $0xffff, v6  }
0xb7: {  	s23 =	sadd.s32 $0x1, s23  }
0xb8: {  	p0 =	sne.s32 s23, $0x8  }
.Ltmp2:
0xb9: {  	_ = 	snop;
	(pc) =	sbr.rel @p0 .LBB2_3-.Ltmp2, $1  }
0xba: {  	_ =	sdelay $0x3  }
0xbb: {  	s22 =	sshll.u32 s19, $0xE  }
0xbc: {  	s22 =	sadd.s32 s7, s22  }
0xbd: {  	s22 =	sshrl.u32 s22, $0x3  }
0xbe: {  	p0 =	seq.s32 s19, $0x33;
	s22 =	sadd.s32 s4, s22  }
0xbf: {  	[hbm4b:s22+s2] =	stream.linear.scatter [tilespmem:s15], [sflag:$0x3], $0x2000, $0x38;
	[tilespmem:$0x17000] =	vst v63  }
0xc0: {  	s22 =	sshll.u32 @!p0 s19, $0x8;
	_ =	swait.ge [sflag:s9], $0x2000  }
0xc1: {  	s23 =	simm.s32 @!p0 $0x80;
	s22 =	sand.u32 @!p0 $0x3FFFFF00, s22;
	[sflag:s9] =	ssyncset.done $0x0  }
0xc2: {  	s24 =	simm.s32 @!p0 $0x6800;
	s22 =	sadd.s32 @!p0 $0x100, s22;
	[sflag:s9] =	ssyncadd.s32 $0xFFFFE000  }
0xc3: {  	[tilespmem:s24], [sflag:$0x1] =	stream.indirect.gather @!p0 [hbm4b:s3+s23], $0xC8, s22, s23, $0xb8;
	[tilespmem:$0x17000] =	vst v63  }
0xc4: {  	_ =	swait.ge [sflag:s16], $0x6400  }
0xc5: {  	[sflag:s16] =	ssyncset.done $0x0  }
0xc6: {  	v7 =	vor.u32 s21, v2;
	s21 =	simm.s32 $0x0;
	s22 =	simm.s32 $0x0;
	[sflag:s16] =	ssyncadd.s32 $0xFFFF9C00  }
.LBB2_9:
0xc7: {  	s23 =	sshll.u32 s22, $0x4  }
0xc8: {  	v8 =	vor.u32 s23, v0  }
0xc9: {  	v9 =	vand.u32 $0x78, v8  }
0xca: {  	v9 =	vor.u32 v9, v7;
	_ =	sdelay $0x4  }
0xcb: {  	v11 =	vld.idx.msk [tilespmem:v9+s10+$0x0], $0xffff;
	_ =	sdelay $0x3  }
0xcc: {  	v10 =	vmul.u32 $0xC8, v8  }
0xcd: {  	v12 =	vand.u32 $0x7, v11;
	v8 =	vadd.s32 s21, v11  }
0xce: {  	v13 =	vor.u32 v12, v10;
	v8 =	vand.u32 $0xFFFFFFF8, v8  }
0xcf: {  	s25 =	sshll.u32 s22, $0x3;
	v14 =	vadd.s32 v13, v8  }
0xd0: {  	v8 =	vmov s25  }
0xd1: {  	s26 =	simm.s32 $0x1;
	v8 =	vshll.u32 v8, $0x7  }
0xd2: {  	v15 =	vadd.s32 s26, v11;
	v8 =	vor.u32 v3, v8  }
0xd3: {  	v16 =	vand.u32 $0xFFFFFFF8, v15;
	v9 =	vor.u32 v1, v8  }
0xd4: {  	v18 =	vor.u32 s21, v9;
	v17 =	vld.idx.msk [tilespmem:v14+s13+$0x0], $0xffff;
	v14 =	vand.u32 $0x7, v15;
	v15 =	vadd.s32 v10, v16  }
0xd5: {  	v15 =	vor.u32 v14, v15;
	_ =	sdelay $0x1  }
0xd6: {  	s24 =	simm.s32 $0x2  }
0xd7: {  	v19 =	vadd.s32 s24, v11;
	v16 =	vor.u32 s26, v1  }
0xd8: {  	v14 =	vor.u32 $0x1, v8;
	v16 =	vand.u32 $0x78, v16;
	[tilespmem:v18+s17+$0x0] =	vst.idx.msk $0xffff, v17;
	v17 =	vand.u32 $0xFFFFFFF8, v19  }
0xd9: {  	v16 =	vor.u32 v16, v14;
	v18 =	vld.idx.msk [tilespmem:v15+s13+$0x0], $0xffff;
	v15 =	vand.u32 $0x7, v19;
	v17 =	vadd.s32 v10, v17  }
0xda: {  	v17 =	vor.u32 v15, v17;
	_ =	sdelay $0x1  }
0xdb: {  	s28 =	simm.s32 $0x3  }
0xdc: {  	v20 =	vadd.s32 s28, v11;
	v19 =	vor.u32 s24, v1  }
0xdd: {  	v15 =	vor.u32 $0x2, v8;
	[tilespmem:v16+s17+$0x0] =	vst.idx.msk $0xffff, v18;
	v16 =	vand.u32 $0x78, v19;
	v18 =	vand.u32 $0xFFFFFFF8, v20  }
0xde: {  	v17 =	vld.idx.msk [tilespmem:v17+s13+$0x0], $0xffff;
	v19 =	vor.u32 v16, v15;
	v16 =	vand.u32 $0x7, v20;
	v18 =	vadd.s32 v10, v18  }
0xdf: {  	v18 =	vor.u32 v16, v18;
	_ =	sdelay $0x1  }
0xe0: {  	s29 =	simm.s32 $0x4  }
0xe1: {  	v21 =	vadd.s32 s29, v11;
	v20 =	vor.u32 s28, v1  }
0xe2: {  	v16 =	vor.u32 $0x3, v8;
	[tilespmem:v19+s17+$0x0] =	vst.idx.msk $0xffff, v17;
	v17 =	vand.u32 $0x78, v20;
	v19 =	vand.u32 $0xFFFFFFF8, v21  }
0xe3: {  	v18 =	vld.idx.msk [tilespmem:v18+s13+$0x0], $0xffff;
	v20 =	vor.u32 v17, v16;
	v17 =	vand.u32 $0x7, v21;
	v19 =	vadd.s32 v10, v19  }
0xe4: {  	v19 =	vor.u32 v17, v19;
	_ =	sdelay $0x1  }
0xe5: {  	s30 =	simm.s32 $0x5  }
0xe6: {  	v22 =	vadd.s32 s30, v11;
	v21 =	vor.u32 s29, v1  }
0xe7: {  	v17 =	vor.u32 $0x4, v8;
	[tilespmem:v20+s17+$0x0] =	vst.idx.msk $0xffff, v18;
	v18 =	vand.u32 $0x78, v21;
	v20 =	vand.u32 $0xFFFFFFF8, v22  }
0xe8: {  	v19 =	vld.idx.msk [tilespmem:v19+s13+$0x0], $0xffff;
	v21 =	vor.u32 v18, v17;
	v18 =	vand.u32 $0x7, v22;
	v20 =	vadd.s32 v10, v20  }
0xe9: {  	v20 =	vor.u32 v18, v20;
	_ =	sdelay $0x1  }
0xea: {  	s31 =	simm.s32 $0x6  }
0xeb: {  	v23 =	vadd.s32 s31, v11;
	v22 =	vor.u32 s30, v1  }
0xec: {  	v18 =	vor.u32 $0x5, v8;
	[tilespmem:v21+s17+$0x0] =	vst.idx.msk $0xffff, v19;
	v19 =	vand.u32 $0x78, v22;
	v21 =	vand.u32 $0xFFFFFFF8, v23  }
0xed: {  	v20 =	vld.idx.msk [tilespmem:v20+s13+$0x0], $0xffff;
	v22 =	vor.u32 v19, v18;
	v19 =	vand.u32 $0x7, v23;
	v21 =	vadd.s32 v10, v21  }
0xee: {  	v21 =	vor.u32 v19, v21;
	_ =	sdelay $0x1  }
0xef: {  	s25 =	simm.s32 $0x7  }
0xf0: {  	v24 =	vadd.s32 s25, v11;
	v23 =	vor.u32 s31, v1  }
0xf1: {  	v19 =	vor.u32 $0x6, v8;
	[tilespmem:v22+s17+$0x0] =	vst.idx.msk $0xffff, v20;
	v20 =	vand.u32 $0x78, v23;
	v22 =	vand.u32 $0xFFFFFFF8, v24  }
0xf2: {  	v23 =	vand.u32 $0x7, v24;
	v21 =	vld.idx.msk [tilespmem:v21+s13+$0x0], $0xffff;
	v20 =	vor.u32 v20, v19;
	v22 =	vadd.s32 v10, v22  }
0xf3: {  	v23 =	vor.u32 v23, v22;
	_ =	sdelay $0x3  }
0xf4: {  	s23 =	simm.s32 $0x8;
	v63 =	vor.u32 s25, v1;
	[tilespmem:v20+s17+$0x0] =	vst.idx.msk $0xffff, v21  }
0xf5: {  	s24 =	simm.s32 $0x10;
	v22 =	vadd.s32 s23, v11;
	v20 =	vor.u32 $0x7, v8;
	v21 =	vld.idx.msk [tilespmem:v23+s13+$0x0], $0xffff;
	v23 =	vand.u32 $0x78, v63  }
.LBB2_10:
0xf6: {  	p0 =	slt.u32 s24, $0x28;
	v22 =	vand.u32 $0xFFFFFFF8, v22;
	v23 =	vor.u32 v23, v20  }
0xf7: {  	v22 =	vadd.s32 v13, v22;
	_ =	sdelay $0x2  }
0xf8: {  	s25 =	sadd.s32 $0x1, s23  }
0xf9: {  	v24 =	vadd.s32 s25, v11;
	[tilespmem:v23+s17+$0x0] =	vst.idx.msk $0xffff, v21  }
0xfa: {  	v21 =	vld.idx.msk [tilespmem:v22+s13+$0x0], $0xffff;
	v22 =	vand.u32 $0xFFFFFFF8, v24  }
0xfb: {  	v23 =	vor.u32 s23, v9;
	v24 =	vand.u32 $0x7, v24;
	v22 =	vadd.s32 v10, v22  }
0xfc: {  	v22 =	vor.u32 v24, v22;
	_ =	sdelay $0x2  }
0xfd: {  	s26 =	sadd.s32 $0x2, s23  }
0xfe: {  	[tilespmem:v23+s17+$0x0] =	vst.idx.msk $0xffff, v21;
	v21 =	vor.u32 s25, v1;
	v23 =	vadd.s32 s26, v11  }
0xff: {  	v22 =	vld.idx.msk [tilespmem:v22+s13+$0x0], $0xffff;
	v21 =	vand.u32 $0x78, v21;
	v24 =	vand.u32 $0xFFFFFFF8, v23  }
0x100: {  	v23 =	vand.u32 $0x7, v23;
	v21 =	vor.u32 v21, v14;
	v24 =	vadd.s32 v10, v24  }
0x101: {  	v23 =	vor.u32 v23, v24;
	_ =	sdelay $0x2  }
0x102: {  	s25 =	sadd.s32 $0x3, s23  }
0x103: {  	[tilespmem:v21+s17+$0x0] =	vst.idx.msk $0xffff, v22;
	v21 =	vor.u32 s26, v1;
	v22 =	vadd.s32 s25, v11  }
0x104: {  	v23 =	vld.idx.msk [tilespmem:v23+s13+$0x0], $0xffff;
	v21 =	vand.u32 $0x78, v21;
	v24 =	vand.u32 $0xFFFFFFF8, v22  }
0x105: {  	v22 =	vand.u32 $0x7, v22;
	v21 =	vor.u32 v21, v15;
	v24 =	vadd.s32 v10, v24  }
0x106: {  	v22 =	vor.u32 v22, v24;
	_ =	sdelay $0x2  }
0x107: {  	s26 =	sadd.s32 $0x4, s23  }
0x108: {  	[tilespmem:v21+s17+$0x0] =	vst.idx.msk $0xffff, v23;
	v21 =	vor.u32 s25, v1;
	v23 =	vadd.s32 s26, v11  }
0x109: {  	v22 =	vld.idx.msk [tilespmem:v22+s13+$0x0], $0xffff;
	v21 =	vand.u32 $0x78, v21;
	v24 =	vand.u32 $0xFFFFFFF8, v23  }
0x10a: {  	v23 =	vand.u32 $0x7, v23;
	v21 =	vor.u32 v21, v16;
	v24 =	vadd.s32 v10, v24  }
0x10b: {  	v23 =	vor.u32 v23, v24;
	_ =	sdelay $0x2  }
0x10c: {  	s25 =	sadd.s32 $0x5, s23  }
0x10d: {  	[tilespmem:v21+s17+$0x0] =	vst.idx.msk $0xffff, v22;
	v21 =	vor.u32 s26, v1;
	v22 =	vadd.s32 s25, v11  }
0x10e: {  	v23 =	vld.idx.msk [tilespmem:v23+s13+$0x0], $0xffff;
	v21 =	vand.u32 $0x78, v21;
	v24 =	vand.u32 $0xFFFFFFF8, v22  }
0x10f: {  	v22 =	vand.u32 $0x7, v22;
	v21 =	vor.u32 v21, v17;
	v24 =	vadd.s32 v10, v24  }
0x110: {  	v22 =	vor.u32 v22, v24;
	_ =	sdelay $0x2  }
0x111: {  	s26 =	sadd.s32 $0x6, s23  }
0x112: {  	[tilespmem:v21+s17+$0x0] =	vst.idx.msk $0xffff, v23;
	v21 =	vor.u32 s25, v1;
	v23 =	vadd.s32 s26, v11  }
0x113: {  	v22 =	vld.idx.msk [tilespmem:v22+s13+$0x0], $0xffff;
	v21 =	vand.u32 $0x78, v21;
	v24 =	vand.u32 $0xFFFFFFF8, v23  }
0x114: {  	v23 =	vand.u32 $0x7, v23;
	v21 =	vor.u32 v21, v18;
	v24 =	vadd.s32 v10, v24  }
0x115: {  	v23 =	vor.u32 v23, v24;
	_ =	sdelay $0x2  }
0x116: {  	s25 =	sadd.s32 $0x7, s23;
	s23 =	smov.u32 s24  }
0x117: {  	[tilespmem:v21+s17+$0x0] =	vst.idx.msk $0xffff, v22;
	v21 =	vor.u32 s26, v1;
	v22 =	vadd.s32 s25, v11  }
0x118: {  	v23 =	vld.idx.msk [tilespmem:v23+s13+$0x0], $0xffff;
	v21 =	vand.u32 $0x78, v21;
	v24 =	vand.u32 $0xFFFFFFF8, v22  }
0x119: {  	v22 =	vand.u32 $0x7, v22;
	v21 =	vor.u32 v21, v19;
	v24 =	vadd.s32 v10, v24  }
0x11a: {  	v24 =	vor.u32 v22, v24  }
.Ltmp3:
0x11b: {  	(pc) =	sbr.rel @p0 .LBB2_10-.Ltmp3, $3  }
0x11c: {  	_ =	sdelay $0x1  }
0x11d: {  	[tilespmem:v21+s17+$0x0] =	vst.idx.msk $0xffff, v23;
	v23 =	vor.u32 s25, v1  }
0x11e: {  	s24 =	sadd.s32 $0x8, s24;
	v22 =	vadd.s32 s23, v11;
	v21 =	vld.idx.msk [tilespmem:v24+s13+$0x0], $0xffff;
	v23 =	vand.u32 $0x78, v23  }
0x11f: {  	v22 =	vand.u32 $0xFFFFFFF8, v22;
	v23 =	vor.u32 v23, v20  }
0x120: {  	v13 =	vadd.s32 v13, v22;
	_ =	sdelay $0x1  }
0x121: {  	s24 =	sadd.s32 $0x1, s23  }
0x122: {  	v26 =	vadd.s32 s24, v11  }
0x123: {  	v27 =	vand.u32 $0xFFFFFFF8, v26;
	[tilespmem:v23+s17+$0x0] =	vst.idx.msk $0xffff, v21  }
0x124: {  	v28 =	vor.u32 s23, v9;
	v22 =	vand.u32 $0x7, v26;
	v21 =	vadd.s32 v10, v27;
	v13 =	vld.idx.msk [tilespmem:v13+s13+$0x0], $0xffff  }
0x125: {  	v21 =	vor.u32 v22, v21;
	_ =	sdelay $0x1  }
0x126: {  	s25 =	sadd.s32 $0x2, s23  }
0x127: {  	v29 =	vor.u32 s24, v1;
	v24 =	vadd.s32 s25, v11  }
0x128: {  	v30 =	vand.u32 $0x78, v29;
	v31 =	vand.u32 $0xFFFFFFF8, v24;
	[tilespmem:v28+s17+$0x0] =	vst.idx.msk $0xffff, v13  }
0x129: {  	v32 =	vand.u32 $0x7, v24;
	v22 =	vadd.s32 v10, v31;
	v13 =	vor.u32 v30, v14;
	v21 =	vld.idx.msk [tilespmem:v21+s13+$0x0], $0xffff  }
0x12a: {  	v14 =	vor.u32 v32, v22;
	_ =	sdelay $0x1  }
0x12b: {  	s26 =	sadd.s32 $0x3, s23  }
0x12c: {  	v33 =	vor.u32 s25, v1;
	v34 =	vadd.s32 s26, v11  }
0x12d: {  	v35 =	vand.u32 $0x78, v33;
	v36 =	vand.u32 $0xFFFFFFF8, v34;
	[tilespmem:v13+s17+$0x0] =	vst.idx.msk $0xffff, v21  }
0x12e: {  	v37 =	vand.u32 $0x7, v34;
	v13 =	vor.u32 v35, v15;
	v21 =	vadd.s32 v10, v36;
	v14 =	vld.idx.msk [tilespmem:v14+s13+$0x0], $0xffff  }
0x12f: {  	v15 =	vor.u32 v37, v21;
	_ =	sdelay $0x1  }
0x130: {  	s28 =	sadd.s32 $0x4, s23  }
0x131: {  	v38 =	vor.u32 s26, v1;
	v39 =	vadd.s32 s28, v11  }
0x132: {  	v40 =	vand.u32 $0x78, v38;
	v41 =	vand.u32 $0xFFFFFFF8, v39;
	[tilespmem:v13+s17+$0x0] =	vst.idx.msk $0xffff, v14  }
0x133: {  	v42 =	vand.u32 $0x7, v39;
	v13 =	vor.u32 v40, v16;
	v14 =	vadd.s32 v10, v41;
	v15 =	vld.idx.msk [tilespmem:v15+s13+$0x0], $0xffff  }
0x134: {  	v14 =	vor.u32 v42, v14;
	_ =	sdelay $0x1  }
0x135: {  	s29 =	sadd.s32 $0x5, s23  }
0x136: {  	v43 =	vor.u32 s28, v1;
	v44 =	vadd.s32 s29, v11  }
0x137: {  	v45 =	vand.u32 $0x78, v43;
	v46 =	vand.u32 $0xFFFFFFF8, v44;
	[tilespmem:v13+s17+$0x0] =	vst.idx.msk $0xffff, v15  }
0x138: {  	v47 =	vand.u32 $0x7, v44;
	v13 =	vor.u32 v45, v17;
	v15 =	vadd.s32 v10, v46;
	v14 =	vld.idx.msk [tilespmem:v14+s13+$0x0], $0xffff  }
0x139: {  	v15 =	vor.u32 v47, v15;
	_ =	sdelay $0x1  }
0x13a: {  	s30 =	sadd.s32 $0x6, s23  }
0x13b: {  	v48 =	vor.u32 s29, v1;
	v49 =	vadd.s32 s30, v11  }
0x13c: {  	v50 =	vand.u32 $0x78, v48;
	v51 =	vand.u32 $0xFFFFFFF8, v49;
	[tilespmem:v13+s17+$0x0] =	vst.idx.msk $0xffff, v14  }
0x13d: {  	v52 =	vand.u32 $0x7, v49;
	v13 =	vor.u32 v50, v18;
	v14 =	vadd.s32 v10, v51;
	v15 =	vld.idx.msk [tilespmem:v15+s13+$0x0], $0xffff  }
0x13e: {  	v14 =	vor.u32 v52, v14;
	_ =	sdelay $0x1  }
0x13f: {  	s31 =	sadd.s32 $0x7, s23  }
0x140: {  	v53 =	vor.u32 s30, v1;
	v54 =	vadd.s32 s31, v11  }
0x141: {  	v55 =	vand.u32 $0x78, v53;
	v56 =	vand.u32 $0xFFFFFFF8, v54;
	[tilespmem:v13+s17+$0x0] =	vst.idx.msk $0xffff, v15  }
0x142: {  	v57 =	vand.u32 $0x7, v54;
	v13 =	vor.u32 v55, v19;
	v15 =	vadd.s32 v10, v56;
	v14 =	vld.idx.msk [tilespmem:v14+s13+$0x0], $0xffff  }
0x143: {  	v15 =	vor.u32 v57, v15;
	_ =	sdelay $0x2  }
0x144: {  	v59 =	vand.u32 $0xFFFFFFF8, v11;
	v58 =	vor.u32 s31, v1  }
0x145: {  	v61 =	vadd.s32 v59, v10;
	v60 =	vand.u32 $0x78, v58;
	[tilespmem:v13+s17+$0x0] =	vst.idx.msk $0xffff, v14  }
0x146: {  	v12 =	vadd.s32 v12, v61;
	v13 =	vor.u32 v60, v20;
	v15 =	vld.idx.msk [tilespmem:v15+s13+$0x0], $0xffff  }
0x147: {  	v12 =	vadd.s32 $0x30, v12;
	_ =	sdelay $0x2  }
0x148: {  	v11 =	vadd.s32 $0x31, v11  }
0x149: {  	v62 =	vand.u32 $0xFFFFFFF8, v11;
	[tilespmem:v13+s17+$0x0] =	vst.idx.msk $0xffff, v15  }
0x14a: {  	v63 =	vor.u32 v4, v8;
	v11 =	vand.u32 $0x7, v11;
	v10 =	vadd.s32 v10, v62;
	v12 =	vld.idx.msk [tilespmem:v12+s13+$0x0], $0xffff  }
0x14b: {  	v10 =	vor.u32 v11, v10;
	_ =	sdelay $0x3  }
0x14c: {  	[tilespmem:v63+s17+$0x0] =	vst.idx.msk $0xffff, v12  }
0x14d: {  	v11 =	vor.u32 v5, v8;
	v10 =	vld.idx.msk [tilespmem:v10+s13+$0x0], $0xffff;
	_ =	sdelay $0x4  }
0x14e: {  	s23 =	simm.s32 $0x32;
	[tilespmem:v11+s17+$0x0] =	vst.idx.msk $0xffff, v10  }
.LBB2_12:
0x14f: {  	s24 =	sadd.s32 $0x1, s23  }
0x150: {  	v10 =	vor.u32 s23, v9;
	s26 =	sadd.s32 $0x2, s23;
	s28 =	sadd.s32 $0x3, s23;
	v11 =	vmov s24;
	v12 =	vadd.s32 s24, v1  }
0x151: {  	s29 =	sadd.s32 $0x4, s23;
	v13 =	vadd.s32 s26, v1;
	v14 =	vmov s26;
	v57 =	vmov s28  }
0x152: {  	s30 =	sadd.s32 $0x5, s23;
	s31 =	sadd.s32 $0x6, s23;
	v58 =	vadd.s32 s28, v1;
	v15 =	vadd.s32 s29, v1;
	v16 =	vmov s29  }
0x153: {  	v60 =	vmov s30;
	v61 =	vadd.s32 s30, v1;
	v17 =	vadd.s32 s31, v1  }
0x154: {  	v18 =	vmov s31;
	v12 =	vand.u32 $0xF8, v12;
	v11 =	vand.u32 $0x7, v11  }
0x155: {  	v13 =	vand.u32 $0xF8, v13;
	v56 =	vand.u32 $0x7, v14;
	v14 =	vand.u32 $0xF8, v58  }
0x156: {  	v15 =	vand.u32 $0xF8, v15;
	v59 =	vand.u32 $0x7, v16;
	v12 =	vadd.s32 v8, v12  }
0x157: {  	v16 =	vand.u32 $0xF8, v61;
	v13 =	vadd.s32 v8, v13;
	v11 =	vor.u32 v11, v12  }
0x158: {  	v14 =	vadd.s32 v8, v14;
	v12 =	vor.u32 v56, v13;
	v13 =	vand.u32 $0x7, v57  }
0x159: {  	v17 =	vand.u32 $0xF8, v17;
	v15 =	vadd.s32 v8, v15;
	v13 =	vor.u32 v13, v14  }
0x15a: {  	v16 =	vadd.s32 v8, v16;
	v14 =	vor.u32 v59, v15;
	v15 =	vand.u32 $0x7, v60  }
0x15b: {  	v62 =	vand.u32 $0x7, v18;
	v63 =	vadd.s32 v8, v17;
	[tilespmem:v10+s17+$0x0] =	vst.idx.msk $0xffff, v6;
	v10 =	vor.u32 v15, v16  }
0x15c: {  	p0 =	slt.u32 s23, $0x39;
	[tilespmem:v11+s17+$0x0] =	vst.idx.msk $0xffff, v6;
	v11 =	vor.u32 v62, v63  }
.Ltmp4:
0x15d: {  	[tilespmem:v12+s17+$0x0] =	vst.idx.msk $0xffff, v6;
	(pc) =	sbr.rel @p0 .LBB2_12-.Ltmp4, $4  }
0x15e: {  	[tilespmem:v13+s17+$0x0] =	vst.idx.msk $0xffff, v6  }
0x15f: {  	[tilespmem:v14+s17+$0x0] =	vst.idx.msk $0xffff, v6  }
0x160: {  	[tilespmem:v10+s17+$0x0] =	vst.idx.msk $0xffff, v6  }
0x161: {  	s23 =	sadd.s32 $0x7, s23;
	[tilespmem:v11+s17+$0x0] =	vst.idx.msk $0xffff, v6  }
0x162: {  	s22 =	sadd.s32 $0x1, s22  }
0x163: {  	p0 =	sne.s32 s22, $0x8  }
.Ltmp5:
0x164: {  	_ = 	snop;
	(pc) =	sbr.rel @p0 .LBB2_9-.Ltmp5, $1  }
0x165: {  	_ =	sdelay $0x3  }
0x166: {  	s20 =	sshll.u32 s20, $0xD  }
0x167: {  	s19 =	sadd.s32 $0x1, s19;
	s20 =	sadd.s32 s7, s20  }
0x168: {  	p0 =	sne.s32 s19, $0x34;
	s20 =	sshrl.u32 s20, $0x3  }
.Ltmp6:
0x169: {  	s20 =	sadd.s32 s4, s20;
	(pc) =	sbr.rel @p0 .LBB2_2-.Ltmp6, $4  }
0x16a: {  	[hbm4b:s20+s2] =	stream.linear.scatter [tilespmem:s17], [sflag:$0x3], $0x2000, $0x38;
	[tilespmem:$0x17000] =	vst v63  }
0x16b: {  	_ =	swait.ge [sflag:s9], $0x2000  }
0x16c: {  	[sflag:s9] =	ssyncset.done $0x0  }
0x16d: {  	[sflag:s9] =	ssyncadd.s32 $0xFFFFE000  }
0x16e: {  	s18 =	sadd.s32 $0x1, s18  }
0x16f: {  	p0 =	sne.s32 s18, s8  }
.Ltmp7:
0x170: {  	_ = 	snop;
	(pc) =	sbr.rel @p0 .LBB2_1-.Ltmp7, $1  }
0x171: {  	_ =	sdelay $0x3  }
0x172: {  	_ =	sfence.sel $0x180000  }
0x173: {  	[bflag:$0x0] =	sbarrier.arrive $0xFFFF  }
0x174: {  	p0 =	sne.s32 s0, $0x0;
	_ =	strace $0x90000047  }
0x175: {  	s0 =	sadd.s32 @!p0 $0x100000, s1;
	[bflag:$0x2] =	sbarrier.arrive $0xFFFF  }
0x176: {  	[sflag:s0] =	ssyncadd.tile.s32 @!p0 $0x1;
	_ =	shalt  }
.Lfunc_end2:
_tile_overlayer_lowered:
.L_overlay_start_2:
0x177: {  	(tag) =	ssettag $0x2  }
0x178: {  	s0 =	rddreg [dreg:$0x0];
	s2 =	stileid.u32  }
0x179: {  	s1 =	rddreg [dreg:$0x1];
	p0 =	sne.s32 s2, $0x0  }
0x17a: {  	s3 =	rddreg [dreg:$0x2];
	[bflag:$0x3] =	sbarrier.arrive $0xFFFF;
	s2 =	simm.s32 @!p0 $0x1C03  }
0x17b: {  	[timem:s3], [sflag:s2] =	dma.local @!p0 [hbm:s0], s1  }
0x17c: {  	s0 =	simm.s32 @!p0 $0x3  }
0x17d: {  	_ =	swait.ge @!p0 [sflag:s0], s1  }
0x17e: {  	s1 =	ssub.s32 @!p0 $0x0, s1;
	[sflag:s0] =	ssyncset.done @!p0 $0x0  }
0x17f: {  	[sflag:s0] =	ssyncadd.s32 @!p0 s1  }
0x180: {  	[bflag:$0x3] =	sbarrier.arrive $0xFFFF  }
0x181: {  	_ =	shalt  }

</sc_bundles>
